<compile_context>
chip_gen: v7x
topology: tpu7x:2x2x1
jax: 0.10.2.dev20260603
libtpu: 0.0.44.dev20260713+nightly
codegen_flags: <defaults>
</compile_context>

<pallas_src>
import functools

import jax
import jax.numpy as jnp
from jax import lax
from jax.experimental import pallas as pl
from jax.experimental.pallas import tpu as pltpu
from jax.experimental.pallas import tpu_sc as plsc

B = 128
N = 32768
SKIP = 1024
M = N - SKIP
OUT_D = 1024
L = 16
NC = 2
NS = 16
NW = NC * NS
ROWS_PER_W = B // NW
NACC = 8
STRIDE = L * NACC
NIT = M // STRIDE


def _sc_reduce_mlp(tokens_flat, p, w2, b2):
    mesh = plsc.VectorSubcoreMesh(
        core_axis_name="c", subcore_axis_name="s",
        num_cores=NC, num_subcores=NS)

    @functools.partial(
        pl.kernel,
        out_type=jax.ShapeDtypeStruct((B * OUT_D,), jnp.float32),
        mesh=mesh,
        scratch_types=[
            pltpu.VMEM((2, M), jnp.float32),
            pltpu.VMEM((16,), jnp.float32),
            pltpu.VMEM((OUT_D,), jnp.float32),
            pltpu.VMEM((OUT_D,), jnp.float32),
            pltpu.VMEM((ROWS_PER_W, OUT_D), jnp.float32),
            pltpu.SemaphoreType.DMA,
            pltpu.SemaphoreType.DMA,
            pltpu.SemaphoreType.DMA,
        ],
    )
    def body(tok_hbm, p_hbm, w2_hbm, b2_hbm, out_hbm,
             buf, p_v, w2_v, b2_v, orows, sem0, sem1, osem):
        sems = (sem0, sem1)
        wid = lax.axis_index("s") * NC + lax.axis_index("c")
        base_row = wid * ROWS_PER_W

        pltpu.sync_copy(p_hbm, p_v)
        pltpu.sync_copy(w2_hbm, w2_v)
        pltpu.sync_copy(b2_hbm, b2_v)
        p_vec = p_v[pl.ds(0, L)]
        p0 = p_vec[0]
        p1 = p_vec[1]

        def row_start(r):
            off = pl.multiple_of((base_row + r) * N + SKIP, 8)
            return pltpu.async_copy(
                tok_hbm.at[pl.ds(off, M)], buf.at[r % 2], sems[r % 2])

        def row_sum(r):
            slot = r % 2
            zero = jnp.zeros((L,), jnp.float32)

            def it(i, accs):
                base = i * STRIDE
                return tuple(
                    a + buf[slot, pl.ds(base + j * L, L)]
                    for j, a in enumerate(accs))

            accs = plsc.parallel_loop(
                0, NIT, carry=(zero,) * NACC, unroll=2)(it)
            acc = accs[0]
            for a in accs[1:]:
                acc = acc + a
            total = acc[0]
            for lane in range(1, L):
                total = total + acc[lane]
            return total

        out_copies = []
        cp = row_start(0)
        for r in range(ROWS_PER_W):
            nxt = row_start(r + 1) if r + 1 < ROWS_PER_W else None
            cp.wait()
            c = p0 + p1 * row_sum(r)

            def out_it(j):
                sl = pl.ds(j * L, L)
                orows[r, sl] = jnp.maximum(c * w2_v[sl] + b2_v[sl], 0.0)

            plsc.parallel_loop(0, OUT_D // L, unroll=4)(out_it)
            off = pl.multiple_of((base_row + r) * OUT_D, 8)
            out_copies.append(pltpu.async_copy(
                orows.at[r], out_hbm.at[pl.ds(off, OUT_D)], osem))
            cp = nxt
        for oc in out_copies:
            oc.wait()

    return body(tokens_flat, p, w2, b2)


def kernel(tokens, W1, b1, Wc, bc, W2, b2):
    p = jnp.zeros((16,), jnp.float32)
    p = p.at[0].set(Wc[0, 0] + bc[0]).at[1].set(Wc[0, 1] * (1.0 / M))
    out_flat = _sc_reduce_mlp(tokens.reshape(B * N), p, W2[:, 0], b2)
    return out_flat.reshape(B, OUT_D)

# --- scband reference (transcript-rebuilt; emitter-appended) ---
"""Pipeline reference for scband-atsa-49890340111123 (READ-ONLY COPY).

The authoritative reference and input builder live on the scoring server;
editing this copy changes nothing except your own understanding.
"""

import jax, jax.numpy as jnp
import numpy as np

B = 128
N = 32768
K = 2048
ALPHA = 0.5
IN_DIM = 1024   # must equal int(ALPHA * K)
HID = 1         # forced: concat last-dim = HID + 1 must equal 2*HID -> HID = 1


def setup_inputs(seed: int = 0) -> dict:
    key = jax.random.key(seed)
    ks = jax.random.split(key, 7)
    tokens = jax.random.normal(ks[0], (B, N), dtype=jnp.float32)
    s1 = 1.0 / np.sqrt(IN_DIM)
    W1 = jax.random.uniform(ks[1], (HID, IN_DIM), minval=-s1, maxval=s1, dtype=jnp.float32)
    b1 = jax.random.uniform(ks[2], (HID,), minval=-s1, maxval=s1, dtype=jnp.float32)
    sc = 1.0 / np.sqrt(2 * HID)
    Wc = jax.random.uniform(ks[3], (HID, 2 * HID), minval=-sc, maxval=sc, dtype=jnp.float32)
    bc = jax.random.uniform(ks[4], (HID,), minval=-sc, maxval=sc, dtype=jnp.float32)
    s2 = 1.0 / np.sqrt(HID)
    W2 = jax.random.uniform(ks[5], (IN_DIM, HID), minval=-s2, maxval=s2, dtype=jnp.float32)
    b2 = jax.random.uniform(ks[6], (IN_DIM,), minval=-s2, maxval=s2, dtype=jnp.float32)
    return {"tokens": tokens, "W1": W1, "b1": b1, "Wc": Wc, "bc": bc, "W2": W2, "b2": b2}


def reference(tokens, W1, b1, Wc, bc, W2, b2):
    # RouterAlpha: top int(alpha*k) values along dim 1
    top_alpha_k = int(ALPHA * K)
    top_values, top_indices = jax.lax.top_k(tokens, top_alpha_k)
    # RouterK: torch.topk(tokens, k) is computed but its values/indices are unused
    _v, _i = jax.lax.top_k(tokens, K)
    top_1_minus_alpha_k = int((1.0 - ALPHA) * K)
    normally_dropped_tokens = tokens[:, top_1_minus_alpha_k:]
    avg_pooled = jnp.mean(normally_dropped_tokens, axis=1, keepdims=True)
    # mlp1: Linear(in_dim, hidden_dim) + ReLU
    mlp_output_alpha = jax.nn.relu(top_values @ W1.T + b1)
    softmax_output = jax.nn.softmax(mlp_output_alpha, axis=-1)
    concat_output = jnp.concatenate([softmax_output, avg_pooled], axis=-1)
    concat_processed = concat_output @ Wc.T + bc
    final_output = jax.nn.relu(concat_processed @ W2.T + b2)
    return final_output

if __name__ == "__main__":
    import jax
    _d = setup_inputs()
    print(jax.jit(kernel)(*tuple(_d.values())))

</pallas_src>

<mosaic_0001>
#map = affine_map<(d0, d1) -> (0)>
module attributes {stable_mosaic.version = 14 : i64} {
  func.func @body(%arg0: i32, %arg1: i32, %arg2: memref<4194304xf32, #tpu.memory_space<hbm>>, %arg3: memref<16xf32, #tpu.memory_space<hbm>>, %arg4: memref<1024xf32, #tpu.memory_space<hbm>>, %arg5: memref<1024xf32, #tpu.memory_space<hbm>>, %arg6: memref<131072xf32, #tpu.memory_space<hbm>>, %arg7: memref<2x31744xf32, #tpu.memory_space<vmem>>, %arg8: memref<16xf32, #tpu.memory_space<vmem>>, %arg9: memref<1024xf32, #tpu.memory_space<vmem>>, %arg10: memref<1024xf32, #tpu.memory_space<vmem>>, %arg11: memref<4x1024xf32, #tpu.memory_space<vmem>>, %arg12: memref<!tpu.dma_semaphore, #tpu.memory_space<semaphore_mem>>, %arg13: memref<!tpu.dma_semaphore, #tpu.memory_space<semaphore_mem>>, %arg14: memref<!tpu.dma_semaphore, #tpu.memory_space<semaphore_mem>>) attributes {dimension_semantics = [#tpu.dimension_semantics<core_parallel>, #tpu.dimension_semantics<subcore_parallel>], iteration_bounds = array<i64: 2, 16>, scalar_prefetch = 0 : i64, scratch_operands = 8 : i64, tpu.core_type = #tpu.core_type<sc_vector_subcore>, window_params = [{transform_indices = #map}, {transform_indices = #map}, {transform_indices = #map}, {transform_indices = #map}, {transform_indices = #map}]} {
    %mul3A = arith.constant 2 : i32
    %mul3A_0 = arith.muli %arg1, %mul3A : i32
    %add3A = arith.addi %mul3A_0, %arg0 : i32
    %mul3A_1 = arith.constant 4 : i32
    %mul3A_2 = arith.muli %add3A, %mul3A_1 : i32
    "tpu.region"() ({
      %run_scoped3A = tpu.sem_alloc : memref<!tpu.dma_semaphore, #tpu.memory_space<semaphore_mem>>
      tpu.enqueue_dma source(%arg3 : memref<16xf32, #tpu.memory_space<hbm>>) target(%arg8 : memref<16xf32, #tpu.memory_space<vmem>>) target_semaphore(%run_scoped3A : memref<!tpu.dma_semaphore, #tpu.memory_space<semaphore_mem>>)
      tpu.wait_dma2 semaphore(%run_scoped3A : memref<!tpu.dma_semaphore, #tpu.memory_space<semaphore_mem>>) src(%arg3 : memref<16xf32, #tpu.memory_space<hbm>>) dst(%arg8 : memref<16xf32, #tpu.memory_space<vmem>>)
      tpu.yield
    }) : () -> ()
    "tpu.region"() ({
      %run_scoped3A = tpu.sem_alloc : memref<!tpu.dma_semaphore, #tpu.memory_space<semaphore_mem>>
      tpu.enqueue_dma source(%arg4 : memref<1024xf32, #tpu.memory_space<hbm>>) target(%arg9 : memref<1024xf32, #tpu.memory_space<vmem>>) target_semaphore(%run_scoped3A : memref<!tpu.dma_semaphore, #tpu.memory_space<semaphore_mem>>)
      tpu.wait_dma2 semaphore(%run_scoped3A : memref<!tpu.dma_semaphore, #tpu.memory_space<semaphore_mem>>) src(%arg4 : memref<1024xf32, #tpu.memory_space<hbm>>) dst(%arg9 : memref<1024xf32, #tpu.memory_space<vmem>>)
      tpu.yield
    }) : () -> ()
    "tpu.region"() ({
      %run_scoped3A = tpu.sem_alloc : memref<!tpu.dma_semaphore, #tpu.memory_space<semaphore_mem>>
      tpu.enqueue_dma source(%arg5 : memref<1024xf32, #tpu.memory_space<hbm>>) target(%arg10 : memref<1024xf32, #tpu.memory_space<vmem>>) target_semaphore(%run_scoped3A : memref<!tpu.dma_semaphore, #tpu.memory_space<semaphore_mem>>)
      tpu.wait_dma2 semaphore(%run_scoped3A : memref<!tpu.dma_semaphore, #tpu.memory_space<semaphore_mem>>) src(%arg5 : memref<1024xf32, #tpu.memory_space<hbm>>) dst(%arg10 : memref<1024xf32, #tpu.memory_space<vmem>>)
      tpu.yield
    }) : () -> ()
    %get3A = arith.constant 0 : index
    %get3A_3 = tpu.vector_load %arg8[%get3A] {strides = array<i32>} : memref<16xf32, #tpu.memory_space<vmem>>, vector<16xf32>,
    %get3A_4 = vector.shape_cast %get3A_3 : vector<16xf32> to vector<16xf32>
    %slice3A = vector.extract_strided_slice %get3A_4 {offsets = [0], sizes = [1], strides = [1]} : vector<16xf32> to vector<1xf32>
    %squeeze3A = vector.extract %slice3A[0] : f32 from vector<1xf32>
    %slice3A_5 = vector.extract_strided_slice %get3A_4 {offsets = [1], sizes = [1], strides = [1]} : vector<16xf32> to vector<1xf32>
    %squeeze3A_6 = vector.extract %slice3A_5[0] : f32 from vector<1xf32>
    %add3A_7 = arith.constant 0 : i32
    %add3A_8 = arith.addi %mul3A_2, %add3A_7 : i32
    %mul3A_9 = arith.constant 32768 : i32
    %mul3A_10 = arith.muli %add3A_8, %mul3A_9 : i32
    %add3A_11 = arith.constant 1024 : i32
    %add3A_12 = arith.addi %mul3A_10, %add3A_11 : i32
    %multiple_of3A = tpu.assume_multiple %add3A_12, 8 : i32
    %dma_start3A = arith.constant 0 : i32
    %dma_start3A_13 = arith.constant 0 : i32
    %dma_start3A_14 = tpu.memref_slice %arg7[%dma_start3A, %dma_start3A_13] : memref<2x31744xf32, #tpu.memory_space<vmem>> -> memref<1x31744xf32, #tpu.memory_space<vmem>>
    %dma_start3A_15 = tpu.memref_squeeze %dma_start3A_14 : memref<1x31744xf32, #tpu.memory_space<vmem>> -> memref<31744xf32, #tpu.memory_space<vmem>>
    %dma_start3A_16 = tpu.memref_slice %arg2[%multiple_of3A] : memref<4194304xf32, #tpu.memory_space<hbm>> -> memref<31744xf32, #tpu.memory_space<hbm>>
    %dma_start3A_17 = arith.constant 0 : i32
    %dma_start3A_18 = tpu.memref_slice %arg7[%dma_start3A, %dma_start3A_17] : memref<2x31744xf32, #tpu.memory_space<vmem>> -> memref<1x31744xf32, #tpu.memory_space<vmem>>
    %dma_start3A_19 = tpu.memref_squeeze %dma_start3A_18 : memref<1x31744xf32, #tpu.memory_space<vmem>> -> memref<31744xf32, #tpu.memory_space<vmem>>
    %dma_start3A_20 = tpu.memref_slice %arg2[%multiple_of3A] : memref<4194304xf32, #tpu.memory_space<hbm>> -> memref<31744xf32, #tpu.memory_space<hbm>>
    tpu.enqueue_dma source(%dma_start3A_20 : memref<31744xf32, #tpu.memory_space<hbm>>) target(%dma_start3A_19 : memref<31744xf32, #tpu.memory_space<vmem>>) target_semaphore(%arg12 : memref<!tpu.dma_semaphore, #tpu.memory_space<semaphore_mem>>)
    %add3A_21 = arith.constant 1 : i32
    %add3A_22 = arith.addi %mul3A_2, %add3A_21 : i32
    %mul3A_23 = arith.constant 32768 : i32
    %mul3A_24 = arith.muli %add3A_22, %mul3A_23 : i32
    %add3A_25 = arith.constant 1024 : i32
    %add3A_26 = arith.addi %mul3A_24, %add3A_25 : i32
    %multiple_of3A_27 = tpu.assume_multiple %add3A_26, 8 : i32
    %dma_start3A_28 = arith.constant 1 : i32
    %dma_start3A_29 = arith.constant 0 : i32
    %dma_start3A_30 = tpu.memref_slice %arg7[%dma_start3A_28, %dma_start3A_29] : memref<2x31744xf32, #tpu.memory_space<vmem>> -> memref<1x31744xf32, #tpu.memory_space<vmem>>
    %dma_start3A_31 = tpu.memref_squeeze %dma_start3A_30 : memref<1x31744xf32, #tpu.memory_space<vmem>> -> memref<31744xf32, #tpu.memory_space<vmem>>
    %dma_start3A_32 = tpu.memref_slice %arg2[%multiple_of3A_27] : memref<4194304xf32, #tpu.memory_space<hbm>> -> memref<31744xf32, #tpu.memory_space<hbm>>
    %dma_start3A_33 = arith.constant 0 : i32
    %dma_start3A_34 = tpu.memref_slice %arg7[%dma_start3A_28, %dma_start3A_33] : memref<2x31744xf32, #tpu.memory_space<vmem>> -> memref<1x31744xf32, #tpu.memory_space<vmem>>
    %dma_start3A_35 = tpu.memref_squeeze %dma_start3A_34 : memref<1x31744xf32, #tpu.memory_space<vmem>> -> memref<31744xf32, #tpu.memory_space<vmem>>
    %dma_start3A_36 = tpu.memref_slice %arg2[%multiple_of3A_27] : memref<4194304xf32, #tpu.memory_space<hbm>> -> memref<31744xf32, #tpu.memory_space<hbm>>
    tpu.enqueue_dma source(%dma_start3A_36 : memref<31744xf32, #tpu.memory_space<hbm>>) target(%dma_start3A_35 : memref<31744xf32, #tpu.memory_space<vmem>>) target_semaphore(%arg13 : memref<!tpu.dma_semaphore, #tpu.memory_space<semaphore_mem>>)
    %dma_wait3A = arith.constant 0 : i32
    %dma_wait3A_37 = arith.constant 0 : i32
    %dma_wait3A_38 = tpu.memref_slice %arg7[%dma_wait3A, %dma_wait3A_37] : memref<2x31744xf32, #tpu.memory_space<vmem>> -> memref<1x31744xf32, #tpu.memory_space<vmem>>
    %dma_wait3A_39 = tpu.memref_squeeze %dma_wait3A_38 : memref<1x31744xf32, #tpu.memory_space<vmem>> -> memref<31744xf32, #tpu.memory_space<vmem>>
    %dma_wait3A_40 = tpu.memref_slice %arg2[%multiple_of3A] : memref<4194304xf32, #tpu.memory_space<hbm>> -> memref<31744xf32, #tpu.memory_space<hbm>>
    %dma_wait3A_41 = arith.constant 0 : i32
    %dma_wait3A_42 = tpu.memref_slice %arg7[%dma_wait3A, %dma_wait3A_41] : memref<2x31744xf32, #tpu.memory_space<vmem>> -> memref<1x31744xf32, #tpu.memory_space<vmem>>
    %dma_wait3A_43 = tpu.memref_squeeze %dma_wait3A_42 : memref<1x31744xf32, #tpu.memory_space<vmem>> -> memref<31744xf32, #tpu.memory_space<vmem>>
    %dma_wait3A_44 = tpu.memref_slice %arg2[%multiple_of3A] : memref<4194304xf32, #tpu.memory_space<hbm>> -> memref<31744xf32, #tpu.memory_space<hbm>>
    tpu.wait_dma2 semaphore(%arg12 : memref<!tpu.dma_semaphore, #tpu.memory_space<semaphore_mem>>) src(%dma_wait3A_44 : memref<31744xf32, #tpu.memory_space<hbm>>) dst(%dma_wait3A_43 : memref<31744xf32, #tpu.memory_space<vmem>>)
    %broadcast_in_dim3A = arith.constant 0.000000e+00 : f32
    %broadcast_in_dim3A_45 = vector.broadcast %broadcast_in_dim3A : f32 to vector<16xf32>
    %parallel_loop3A = arith.constant 0 : i32
    %parallel_loop3A_46 = arith.constant 248 : i32
    %parallel_loop3A_47 = arith.constant 1 : i32
    %parallel_loop3A_48:8 = scf.for %parallel_loop3A_454 = %parallel_loop3A to %parallel_loop3A_46 step %parallel_loop3A_47 iter_args(%parallel_loop3A_455 = %broadcast_in_dim3A_45, %parallel_loop3A_456 = %broadcast_in_dim3A_45, %parallel_loop3A_457 = %broadcast_in_dim3A_45, %parallel_loop3A_458 = %broadcast_in_dim3A_45, %parallel_loop3A_459 = %broadcast_in_dim3A_45, %parallel_loop3A_460 = %broadcast_in_dim3A_45, %parallel_loop3A_461 = %broadcast_in_dim3A_45, %parallel_loop3A_462 = %broadcast_in_dim3A_45) -> (vector<16xf32>, vector<16xf32>, vector<16xf32>, vector<16xf32>, vector<16xf32>, vector<16xf32>, vector<16xf32>, vector<16xf32>)  : i32 {
      %parallel_loop3A_463 = arith.constant 128 : i32
      %parallel_loop3A_464 = arith.muli %parallel_loop3A_454, %parallel_loop3A_463 : i32
      %parallel_loop3A_465 = arith.constant 0 : i32
      %parallel_loop3A_466 = arith.addi %parallel_loop3A_464, %parallel_loop3A_465 : i32
      %parallel_loop3A_467 = arith.constant 0 : i32
      %parallel_loop3A_468 = arith.index_cast %parallel_loop3A_467 : i32 to index
      %parallel_loop3A_469 = arith.index_cast %parallel_loop3A_466 : i32 to index
      %parallel_loop3A_470 = tpu.vector_load %arg7[%parallel_loop3A_468, %parallel_loop3A_469] {strides = array<i32>} : memref<2x31744xf32, #tpu.memory_space<vmem>>, vector<1x16xf32>,
      %parallel_loop3A_471 = vector.shape_cast %parallel_loop3A_470 : vector<1x16xf32> to vector<16xf32>
      %parallel_loop3A_472 = arith.addf %parallel_loop3A_455, %parallel_loop3A_471 : vector<16xf32>
      %parallel_loop3A_473 = arith.constant 16 : i32
      %parallel_loop3A_474 = arith.addi %parallel_loop3A_464, %parallel_loop3A_473 : i32
      %parallel_loop3A_475 = arith.constant 0 : i32
      %parallel_loop3A_476 = arith.index_cast %parallel_loop3A_475 : i32 to index
      %parallel_loop3A_477 = arith.index_cast %parallel_loop3A_474 : i32 to index
      %parallel_loop3A_478 = tpu.vector_load %arg7[%parallel_loop3A_476, %parallel_loop3A_477] {strides = array<i32>} : memref<2x31744xf32, #tpu.memory_space<vmem>>, vector<1x16xf32>,
      %parallel_loop3A_479 = vector.shape_cast %parallel_loop3A_478 : vector<1x16xf32> to vector<16xf32>
      %parallel_loop3A_480 = arith.addf %parallel_loop3A_456, %parallel_loop3A_479 : vector<16xf32>
      %parallel_loop3A_481 = arith.constant 32 : i32
      %parallel_loop3A_482 = arith.addi %parallel_loop3A_464, %parallel_loop3A_481 : i32
      %parallel_loop3A_483 = arith.constant 0 : i32
      %parallel_loop3A_484 = arith.index_cast %parallel_loop3A_483 : i32 to index
      %parallel_loop3A_485 = arith.index_cast %parallel_loop3A_482 : i32 to index
      %parallel_loop3A_486 = tpu.vector_load %arg7[%parallel_loop3A_484, %parallel_loop3A_485] {strides = array<i32>} : memref<2x31744xf32, #tpu.memory_space<vmem>>, vector<1x16xf32>,
      %parallel_loop3A_487 = vector.shape_cast %parallel_loop3A_486 : vector<1x16xf32> to vector<16xf32>
      %parallel_loop3A_488 = arith.addf %parallel_loop3A_457, %parallel_loop3A_487 : vector<16xf32>
      %parallel_loop3A_489 = arith.constant 48 : i32
      %parallel_loop3A_490 = arith.addi %parallel_loop3A_464, %parallel_loop3A_489 : i32
      %parallel_loop3A_491 = arith.constant 0 : i32
      %parallel_loop3A_492 = arith.index_cast %parallel_loop3A_491 : i32 to index
      %parallel_loop3A_493 = arith.index_cast %parallel_loop3A_490 : i32 to index
      %parallel_loop3A_494 = tpu.vector_load %arg7[%parallel_loop3A_492, %parallel_loop3A_493] {strides = array<i32>} : memref<2x31744xf32, #tpu.memory_space<vmem>>, vector<1x16xf32>,
      %parallel_loop3A_495 = vector.shape_cast %parallel_loop3A_494 : vector<1x16xf32> to vector<16xf32>
      %parallel_loop3A_496 = arith.addf %parallel_loop3A_458, %parallel_loop3A_495 : vector<16xf32>
      %parallel_loop3A_497 = arith.constant 64 : i32
      %parallel_loop3A_498 = arith.addi %parallel_loop3A_464, %parallel_loop3A_497 : i32
      %parallel_loop3A_499 = arith.constant 0 : i32
      %parallel_loop3A_500 = arith.index_cast %parallel_loop3A_499 : i32 to index
      %parallel_loop3A_501 = arith.index_cast %parallel_loop3A_498 : i32 to index
      %parallel_loop3A_502 = tpu.vector_load %arg7[%parallel_loop3A_500, %parallel_loop3A_501] {strides = array<i32>} : memref<2x31744xf32, #tpu.memory_space<vmem>>, vector<1x16xf32>,
      %parallel_loop3A_503 = vector.shape_cast %parallel_loop3A_502 : vector<1x16xf32> to vector<16xf32>
      %parallel_loop3A_504 = arith.addf %parallel_loop3A_459, %parallel_loop3A_503 : vector<16xf32>
      %parallel_loop3A_505 = arith.constant 80 : i32
      %parallel_loop3A_506 = arith.addi %parallel_loop3A_464, %parallel_loop3A_505 : i32
      %parallel_loop3A_507 = arith.constant 0 : i32
      %parallel_loop3A_508 = arith.index_cast %parallel_loop3A_507 : i32 to index
      %parallel_loop3A_509 = arith.index_cast %parallel_loop3A_506 : i32 to index
      %parallel_loop3A_510 = tpu.vector_load %arg7[%parallel_loop3A_508, %parallel_loop3A_509] {strides = array<i32>} : memref<2x31744xf32, #tpu.memory_space<vmem>>, vector<1x16xf32>,
      %parallel_loop3A_511 = vector.shape_cast %parallel_loop3A_510 : vector<1x16xf32> to vector<16xf32>
      %parallel_loop3A_512 = arith.addf %parallel_loop3A_460, %parallel_loop3A_511 : vector<16xf32>
      %parallel_loop3A_513 = arith.constant 96 : i32
      %parallel_loop3A_514 = arith.addi %parallel_loop3A_464, %parallel_loop3A_513 : i32
      %parallel_loop3A_515 = arith.constant 0 : i32
      %parallel_loop3A_516 = arith.index_cast %parallel_loop3A_515 : i32 to index
      %parallel_loop3A_517 = arith.index_cast %parallel_loop3A_514 : i32 to index
      %parallel_loop3A_518 = tpu.vector_load %arg7[%parallel_loop3A_516, %parallel_loop3A_517] {strides = array<i32>} : memref<2x31744xf32, #tpu.memory_space<vmem>>, vector<1x16xf32>,
      %parallel_loop3A_519 = vector.shape_cast %parallel_loop3A_518 : vector<1x16xf32> to vector<16xf32>
      %parallel_loop3A_520 = arith.addf %parallel_loop3A_461, %parallel_loop3A_519 : vector<16xf32>
      %parallel_loop3A_521 = arith.constant 112 : i32
      %parallel_loop3A_522 = arith.addi %parallel_loop3A_464, %parallel_loop3A_521 : i32
      %parallel_loop3A_523 = arith.constant 0 : i32
      %parallel_loop3A_524 = arith.index_cast %parallel_loop3A_523 : i32 to index
      %parallel_loop3A_525 = arith.index_cast %parallel_loop3A_522 : i32 to index
      %parallel_loop3A_526 = tpu.vector_load %arg7[%parallel_loop3A_524, %parallel_loop3A_525] {strides = array<i32>} : memref<2x31744xf32, #tpu.memory_space<vmem>>, vector<1x16xf32>,
      %parallel_loop3A_527 = vector.shape_cast %parallel_loop3A_526 : vector<1x16xf32> to vector<16xf32>
      %parallel_loop3A_528 = arith.addf %parallel_loop3A_462, %parallel_loop3A_527 : vector<16xf32>
      scf.yield %parallel_loop3A_472, %parallel_loop3A_480, %parallel_loop3A_488, %parallel_loop3A_496, %parallel_loop3A_504, %parallel_loop3A_512, %parallel_loop3A_520, %parallel_loop3A_528 : vector<16xf32>, vector<16xf32>, vector<16xf32>, vector<16xf32>, vector<16xf32>, vector<16xf32>, vector<16xf32>, vector<16xf32>
    } {sc.loop_unroll_factor = 2 : i64, sc.parallel_access}
    %add3A_49 = arith.addf %parallel_loop3A_48#0, %parallel_loop3A_48#1 : vector<16xf32>
    %add3A_50 = arith.addf %add3A_49, %parallel_loop3A_48#2 : vector<16xf32>
    %add3A_51 = arith.addf %add3A_50, %parallel_loop3A_48#3 : vector<16xf32>
    %add3A_52 = arith.addf %add3A_51, %parallel_loop3A_48#4 : vector<16xf32>
    %add3A_53 = arith.addf %add3A_52, %parallel_loop3A_48#5 : vector<16xf32>
    %add3A_54 = arith.addf %add3A_53, %parallel_loop3A_48#6 : vector<16xf32>
    %add3A_55 = arith.addf %add3A_54, %parallel_loop3A_48#7 : vector<16xf32>
    %slice3A_56 = vector.extract_strided_slice %add3A_55 {offsets = [0], sizes = [1], strides = [1]} : vector<16xf32> to vector<1xf32>
    %squeeze3A_57 = vector.extract %slice3A_56[0] : f32 from vector<1xf32>
    %slice3A_58 = vector.extract_strided_slice %add3A_55 {offsets = [1], sizes = [1], strides = [1]} : vector<16xf32> to vector<1xf32>
    %squeeze3A_59 = vector.extract %slice3A_58[0] : f32 from vector<1xf32>
    %add3A_60 = arith.addf %squeeze3A_57, %squeeze3A_59 : f32
    %slice3A_61 = vector.extract_strided_slice %add3A_55 {offsets = [2], sizes = [1], strides = [1]} : vector<16xf32> to vector<1xf32>
    %squeeze3A_62 = vector.extract %slice3A_61[0] : f32 from vector<1xf32>
    %add3A_63 = arith.addf %add3A_60, %squeeze3A_62 : f32
    %slice3A_64 = vector.extract_strided_slice %add3A_55 {offsets = [3], sizes = [1], strides = [1]} : vector<16xf32> to vector<1xf32>
    %squeeze3A_65 = vector.extract %slice3A_64[0] : f32 from vector<1xf32>
    %add3A_66 = arith.addf %add3A_63, %squeeze3A_65 : f32
    %slice3A_67 = vector.extract_strided_slice %add3A_55 {offsets = [4], sizes = [1], strides = [1]} : vector<16xf32> to vector<1xf32>
    %squeeze3A_68 = vector.extract %slice3A_67[0] : f32 from vector<1xf32>
    %add3A_69 = arith.addf %add3A_66, %squeeze3A_68 : f32
    %slice3A_70 = vector.extract_strided_slice %add3A_55 {offsets = [5], sizes = [1], strides = [1]} : vector<16xf32> to vector<1xf32>
    %squeeze3A_71 = vector.extract %slice3A_70[0] : f32 from vector<1xf32>
    %add3A_72 = arith.addf %add3A_69, %squeeze3A_71 : f32
    %slice3A_73 = vector.extract_strided_slice %add3A_55 {offsets = [6], sizes = [1], strides = [1]} : vector<16xf32> to vector<1xf32>
    %squeeze3A_74 = vector.extract %slice3A_73[0] : f32 from vector<1xf32>
    %add3A_75 = arith.addf %add3A_72, %squeeze3A_74 : f32
    %slice3A_76 = vector.extract_strided_slice %add3A_55 {offsets = [7], sizes = [1], strides = [1]} : vector<16xf32> to vector<1xf32>
    %squeeze3A_77 = vector.extract %slice3A_76[0] : f32 from vector<1xf32>
    %add3A_78 = arith.addf %add3A_75, %squeeze3A_77 : f32
    %slice3A_79 = vector.extract_strided_slice %add3A_55 {offsets = [8], sizes = [1], strides = [1]} : vector<16xf32> to vector<1xf32>
    %squeeze3A_80 = vector.extract %slice3A_79[0] : f32 from vector<1xf32>
    %add3A_81 = arith.addf %add3A_78, %squeeze3A_80 : f32
    %slice3A_82 = vector.extract_strided_slice %add3A_55 {offsets = [9], sizes = [1], strides = [1]} : vector<16xf32> to vector<1xf32>
    %squeeze3A_83 = vector.extract %slice3A_82[0] : f32 from vector<1xf32>
    %add3A_84 = arith.addf %add3A_81, %squeeze3A_83 : f32
    %slice3A_85 = vector.extract_strided_slice %add3A_55 {offsets = [10], sizes = [1], strides = [1]} : vector<16xf32> to vector<1xf32>
    %squeeze3A_86 = vector.extract %slice3A_85[0] : f32 from vector<1xf32>
    %add3A_87 = arith.addf %add3A_84, %squeeze3A_86 : f32
    %slice3A_88 = vector.extract_strided_slice %add3A_55 {offsets = [11], sizes = [1], strides = [1]} : vector<16xf32> to vector<1xf32>
    %squeeze3A_89 = vector.extract %slice3A_88[0] : f32 from vector<1xf32>
    %add3A_90 = arith.addf %add3A_87, %squeeze3A_89 : f32
    %slice3A_91 = vector.extract_strided_slice %add3A_55 {offsets = [12], sizes = [1], strides = [1]} : vector<16xf32> to vector<1xf32>
    %squeeze3A_92 = vector.extract %slice3A_91[0] : f32 from vector<1xf32>
    %add3A_93 = arith.addf %add3A_90, %squeeze3A_92 : f32
    %slice3A_94 = vector.extract_strided_slice %add3A_55 {offsets = [13], sizes = [1], strides = [1]} : vector<16xf32> to vector<1xf32>
    %squeeze3A_95 = vector.extract %slice3A_94[0] : f32 from vector<1xf32>
    %add3A_96 = arith.addf %add3A_93, %squeeze3A_95 : f32
    %slice3A_97 = vector.extract_strided_slice %add3A_55 {offsets = [14], sizes = [1], strides = [1]} : vector<16xf32> to vector<1xf32>
    %squeeze3A_98 = vector.extract %slice3A_97[0] : f32 from vector<1xf32>
    %add3A_99 = arith.addf %add3A_96, %squeeze3A_98 : f32
    %slice3A_100 = vector.extract_strided_slice %add3A_55 {offsets = [15], sizes = [1], strides = [1]} : vector<16xf32> to vector<1xf32>
    %squeeze3A_101 = vector.extract %slice3A_100[0] : f32 from vector<1xf32>
    %add3A_102 = arith.addf %add3A_99, %squeeze3A_101 : f32
    %mul3A_103 = arith.mulf %squeeze3A_6, %add3A_102 : f32
    %add3A_104 = arith.addf %squeeze3A, %mul3A_103 : f32
    %parallel_loop3A_105 = arith.constant 0 : i32
    %parallel_loop3A_106 = arith.constant 64 : i32
    %parallel_loop3A_107 = arith.constant 1 : i32
    scf.for %parallel_loop3A_454 = %parallel_loop3A_105 to %parallel_loop3A_106 step %parallel_loop3A_107  : i32 {
      %parallel_loop3A_455 = arith.constant 16 : i32
      %parallel_loop3A_456 = arith.muli %parallel_loop3A_454, %parallel_loop3A_455 : i32
      %parallel_loop3A_457 = arith.index_cast %parallel_loop3A_456 : i32 to index
      %parallel_loop3A_458 = tpu.vector_load %arg9[%parallel_loop3A_457] {strides = array<i32>} : memref<1024xf32, #tpu.memory_space<vmem>>, vector<16xf32>,
      %parallel_loop3A_459 = vector.shape_cast %parallel_loop3A_458 : vector<16xf32> to vector<16xf32>
      %parallel_loop3A_460 = vector.broadcast %add3A_104 : f32 to vector<16xf32>
      %parallel_loop3A_461 = arith.mulf %parallel_loop3A_460, %parallel_loop3A_459 : vector<16xf32>
      %parallel_loop3A_462 = arith.index_cast %parallel_loop3A_456 : i32 to index
      %parallel_loop3A_463 = tpu.vector_load %arg10[%parallel_loop3A_462] {strides = array<i32>} : memref<1024xf32, #tpu.memory_space<vmem>>, vector<16xf32>,
      %parallel_loop3A_464 = vector.shape_cast %parallel_loop3A_463 : vector<16xf32> to vector<16xf32>
      %parallel_loop3A_465 = arith.addf %parallel_loop3A_461, %parallel_loop3A_464 : vector<16xf32>
      %parallel_loop3A_466 = arith.constant 0.000000e+00 : f32
      %parallel_loop3A_467 = vector.broadcast %parallel_loop3A_466 : f32 to vector<16xf32>
      %parallel_loop3A_468 = arith.maximumf %parallel_loop3A_465, %parallel_loop3A_467 : vector<16xf32>
      %parallel_loop3A_469 = arith.constant 0 : i32
      %parallel_loop3A_470 = arith.index_cast %parallel_loop3A_469 : i32 to index
      %parallel_loop3A_471 = arith.index_cast %parallel_loop3A_456 : i32 to index
      %parallel_loop3A_472 = tpu.vector_load %arg11[%parallel_loop3A_470, %parallel_loop3A_471] {strides = array<i32>} : memref<4x1024xf32, #tpu.memory_space<vmem>>, vector<1x16xf32>,
      %parallel_loop3A_473 = vector.shape_cast %parallel_loop3A_472 : vector<1x16xf32> to vector<16xf32>
      %parallel_loop3A_474 = vector.shape_cast %parallel_loop3A_468 : vector<16xf32> to vector<1x16xf32>
      tpu.vector_store %arg11[%parallel_loop3A_470, %parallel_loop3A_471], %parallel_loop3A_474 {strides = array<i32>} : memref<4x1024xf32, #tpu.memory_space<vmem>>, vector<1x16xf32>,
    } {sc.loop_unroll_factor = 4 : i64, sc.parallel_access}
    %add3A_108 = arith.constant 0 : i32
    %add3A_109 = arith.addi %mul3A_2, %add3A_108 : i32
    %mul3A_110 = arith.constant 1024 : i32
    %mul3A_111 = arith.muli %add3A_109, %mul3A_110 : i32
    %multiple_of3A_112 = tpu.assume_multiple %mul3A_111, 8 : i32
    %dma_start3A_113 = arith.constant 0 : i32
    %dma_start3A_114 = arith.constant 0 : i32
    %dma_start3A_115 = tpu.memref_slice %arg11[%dma_start3A_113, %dma_start3A_114] : memref<4x1024xf32, #tpu.memory_space<vmem>> -> memref<1x1024xf32, #tpu.memory_space<vmem>>
    %dma_start3A_116 = tpu.memref_squeeze %dma_start3A_115 : memref<1x1024xf32, #tpu.memory_space<vmem>> -> memref<1024xf32, #tpu.memory_space<vmem>>
    %dma_start3A_117 = tpu.memref_slice %arg6[%multiple_of3A_112] : memref<131072xf32, #tpu.memory_space<hbm>> -> memref<1024xf32, #tpu.memory_space<hbm>>
    %dma_start3A_118 = tpu.memref_slice %arg6[%multiple_of3A_112] : memref<131072xf32, #tpu.memory_space<hbm>> -> memref<1024xf32, #tpu.memory_space<hbm>>
    %dma_start3A_119 = arith.constant 0 : i32
    %dma_start3A_120 = tpu.memref_slice %arg11[%dma_start3A_113, %dma_start3A_119] : memref<4x1024xf32, #tpu.memory_space<vmem>> -> memref<1x1024xf32, #tpu.memory_space<vmem>>
    %dma_start3A_121 = tpu.memref_squeeze %dma_start3A_120 : memref<1x1024xf32, #tpu.memory_space<vmem>> -> memref<1024xf32, #tpu.memory_space<vmem>>
    tpu.enqueue_dma source(%dma_start3A_121 : memref<1024xf32, #tpu.memory_space<vmem>>) target(%dma_start3A_118 : memref<1024xf32, #tpu.memory_space<hbm>>) target_semaphore(%arg14 : memref<!tpu.dma_semaphore, #tpu.memory_space<semaphore_mem>>)
    %add3A_122 = arith.constant 2 : i32
    %add3A_123 = arith.addi %mul3A_2, %add3A_122 : i32
    %mul3A_124 = arith.constant 32768 : i32
    %mul3A_125 = arith.muli %add3A_123, %mul3A_124 : i32
    %add3A_126 = arith.constant 1024 : i32
    %add3A_127 = arith.addi %mul3A_125, %add3A_126 : i32
    %multiple_of3A_128 = tpu.assume_multiple %add3A_127, 8 : i32
    %dma_start3A_129 = arith.constant 0 : i32
    %dma_start3A_130 = arith.constant 0 : i32
    %dma_start3A_131 = tpu.memref_slice %arg7[%dma_start3A_129, %dma_start3A_130] : memref<2x31744xf32, #tpu.memory_space<vmem>> -> memref<1x31744xf32, #tpu.memory_space<vmem>>
    %dma_start3A_132 = tpu.memref_squeeze %dma_start3A_131 : memref<1x31744xf32, #tpu.memory_space<vmem>> -> memref<31744xf32, #tpu.memory_space<vmem>>
    %dma_start3A_133 = tpu.memref_slice %arg2[%multiple_of3A_128] : memref<4194304xf32, #tpu.memory_space<hbm>> -> memref<31744xf32, #tpu.memory_space<hbm>>
    %dma_start3A_134 = arith.constant 0 : i32
    %dma_start3A_135 = tpu.memref_slice %arg7[%dma_start3A_129, %dma_start3A_134] : memref<2x31744xf32, #tpu.memory_space<vmem>> -> memref<1x31744xf32, #tpu.memory_space<vmem>>
    %dma_start3A_136 = tpu.memref_squeeze %dma_start3A_135 : memref<1x31744xf32, #tpu.memory_space<vmem>> -> memref<31744xf32, #tpu.memory_space<vmem>>
    %dma_start3A_137 = tpu.memref_slice %arg2[%multiple_of3A_128] : memref<4194304xf32, #tpu.memory_space<hbm>> -> memref<31744xf32, #tpu.memory_space<hbm>>
    tpu.enqueue_dma source(%dma_start3A_137 : memref<31744xf32, #tpu.memory_space<hbm>>) target(%dma_start3A_136 : memref<31744xf32, #tpu.memory_space<vmem>>) target_semaphore(%arg12 : memref<!tpu.dma_semaphore, #tpu.memory_space<semaphore_mem>>)
    %dma_wait3A_138 = arith.constant 1 : i32
    %dma_wait3A_139 = arith.constant 0 : i32
    %dma_wait3A_140 = tpu.memref_slice %arg7[%dma_wait3A_138, %dma_wait3A_139] : memref<2x31744xf32, #tpu.memory_space<vmem>> -> memref<1x31744xf32, #tpu.memory_space<vmem>>
    %dma_wait3A_141 = tpu.memref_squeeze %dma_wait3A_140 : memref<1x31744xf32, #tpu.memory_space<vmem>> -> memref<31744xf32, #tpu.memory_space<vmem>>
    %dma_wait3A_142 = tpu.memref_slice %arg2[%multiple_of3A_27] : memref<4194304xf32, #tpu.memory_space<hbm>> -> memref<31744xf32, #tpu.memory_space<hbm>>
    %dma_wait3A_143 = arith.constant 0 : i32
    %dma_wait3A_144 = tpu.memref_slice %arg7[%dma_wait3A_138, %dma_wait3A_143] : memref<2x31744xf32, #tpu.memory_space<vmem>> -> memref<1x31744xf32, #tpu.memory_space<vmem>>
    %dma_wait3A_145 = tpu.memref_squeeze %dma_wait3A_144 : memref<1x31744xf32, #tpu.memory_space<vmem>> -> memref<31744xf32, #tpu.memory_space<vmem>>
    %dma_wait3A_146 = tpu.memref_slice %arg2[%multiple_of3A_27] : memref<4194304xf32, #tpu.memory_space<hbm>> -> memref<31744xf32, #tpu.memory_space<hbm>>
    tpu.wait_dma2 semaphore(%arg13 : memref<!tpu.dma_semaphore, #tpu.memory_space<semaphore_mem>>) src(%dma_wait3A_146 : memref<31744xf32, #tpu.memory_space<hbm>>) dst(%dma_wait3A_145 : memref<31744xf32, #tpu.memory_space<vmem>>)
    %broadcast_in_dim3A_147 = arith.constant 0.000000e+00 : f32
    %broadcast_in_dim3A_148 = vector.broadcast %broadcast_in_dim3A_147 : f32 to vector<16xf32>
    %parallel_loop3A_149 = arith.constant 0 : i32
    %parallel_loop3A_150 = arith.constant 248 : i32
    %parallel_loop3A_151 = arith.constant 1 : i32
    %parallel_loop3A_152:8 = scf.for %parallel_loop3A_454 = %parallel_loop3A_149 to %parallel_loop3A_150 step %parallel_loop3A_151 iter_args(%parallel_loop3A_455 = %broadcast_in_dim3A_148, %parallel_loop3A_456 = %broadcast_in_dim3A_148, %parallel_loop3A_457 = %broadcast_in_dim3A_148, %parallel_loop3A_458 = %broadcast_in_dim3A_148, %parallel_loop3A_459 = %broadcast_in_dim3A_148, %parallel_loop3A_460 = %broadcast_in_dim3A_148, %parallel_loop3A_461 = %broadcast_in_dim3A_148, %parallel_loop3A_462 = %broadcast_in_dim3A_148) -> (vector<16xf32>, vector<16xf32>, vector<16xf32>, vector<16xf32>, vector<16xf32>, vector<16xf32>, vector<16xf32>, vector<16xf32>)  : i32 {
      %parallel_loop3A_463 = arith.constant 128 : i32
      %parallel_loop3A_464 = arith.muli %parallel_loop3A_454, %parallel_loop3A_463 : i32
      %parallel_loop3A_465 = arith.constant 0 : i32
      %parallel_loop3A_466 = arith.addi %parallel_loop3A_464, %parallel_loop3A_465 : i32
      %parallel_loop3A_467 = arith.constant 1 : i32
      %parallel_loop3A_468 = arith.index_cast %parallel_loop3A_467 : i32 to index
      %parallel_loop3A_469 = arith.index_cast %parallel_loop3A_466 : i32 to index
      %parallel_loop3A_470 = tpu.vector_load %arg7[%parallel_loop3A_468, %parallel_loop3A_469] {strides = array<i32>} : memref<2x31744xf32, #tpu.memory_space<vmem>>, vector<1x16xf32>,
      %parallel_loop3A_471 = vector.shape_cast %parallel_loop3A_470 : vector<1x16xf32> to vector<16xf32>
      %parallel_loop3A_472 = arith.addf %parallel_loop3A_455, %parallel_loop3A_471 : vector<16xf32>
      %parallel_loop3A_473 = arith.constant 16 : i32
      %parallel_loop3A_474 = arith.addi %parallel_loop3A_464, %parallel_loop3A_473 : i32
      %parallel_loop3A_475 = arith.constant 1 : i32
      %parallel_loop3A_476 = arith.index_cast %parallel_loop3A_475 : i32 to index
      %parallel_loop3A_477 = arith.index_cast %parallel_loop3A_474 : i32 to index
      %parallel_loop3A_478 = tpu.vector_load %arg7[%parallel_loop3A_476, %parallel_loop3A_477] {strides = array<i32>} : memref<2x31744xf32, #tpu.memory_space<vmem>>, vector<1x16xf32>,
      %parallel_loop3A_479 = vector.shape_cast %parallel_loop3A_478 : vector<1x16xf32> to vector<16xf32>
      %parallel_loop3A_480 = arith.addf %parallel_loop3A_456, %parallel_loop3A_479 : vector<16xf32>
      %parallel_loop3A_481 = arith.constant 32 : i32
      %parallel_loop3A_482 = arith.addi %parallel_loop3A_464, %parallel_loop3A_481 : i32
      %parallel_loop3A_483 = arith.constant 1 : i32
      %parallel_loop3A_484 = arith.index_cast %parallel_loop3A_483 : i32 to index
      %parallel_loop3A_485 = arith.index_cast %parallel_loop3A_482 : i32 to index
      %parallel_loop3A_486 = tpu.vector_load %arg7[%parallel_loop3A_484, %parallel_loop3A_485] {strides = array<i32>} : memref<2x31744xf32, #tpu.memory_space<vmem>>, vector<1x16xf32>,
      %parallel_loop3A_487 = vector.shape_cast %parallel_loop3A_486 : vector<1x16xf32> to vector<16xf32>
      %parallel_loop3A_488 = arith.addf %parallel_loop3A_457, %parallel_loop3A_487 : vector<16xf32>
      %parallel_loop3A_489 = arith.constant 48 : i32
      %parallel_loop3A_490 = arith.addi %parallel_loop3A_464, %parallel_loop3A_489 : i32
      %parallel_loop3A_491 = arith.constant 1 : i32
      %parallel_loop3A_492 = arith.index_cast %parallel_loop3A_491 : i32 to index
      %parallel_loop3A_493 = arith.index_cast %parallel_loop3A_490 : i32 to index
      %parallel_loop3A_494 = tpu.vector_load %arg7[%parallel_loop3A_492, %parallel_loop3A_493] {strides = array<i32>} : memref<2x31744xf32, #tpu.memory_space<vmem>>, vector<1x16xf32>,
      %parallel_loop3A_495 = vector.shape_cast %parallel_loop3A_494 : vector<1x16xf32> to vector<16xf32>
      %parallel_loop3A_496 = arith.addf %parallel_loop3A_458, %parallel_loop3A_495 : vector<16xf32>
      %parallel_loop3A_497 = arith.constant 64 : i32
      %parallel_loop3A_498 = arith.addi %parallel_loop3A_464, %parallel_loop3A_497 : i32
      %parallel_loop3A_499 = arith.constant 1 : i32
      %parallel_loop3A_500 = arith.index_cast %parallel_loop3A_499 : i32 to index
      %parallel_loop3A_501 = arith.index_cast %parallel_loop3A_498 : i32 to index
      %parallel_loop3A_502 = tpu.vector_load %arg7[%parallel_loop3A_500, %parallel_loop3A_501] {strides = array<i32>} : memref<2x31744xf32, #tpu.memory_space<vmem>>, vector<1x16xf32>,
      %parallel_loop3A_503 = vector.shape_cast %parallel_loop3A_502 : vector<1x16xf32> to vector<16xf32>
      %parallel_loop3A_504 = arith.addf %parallel_loop3A_459, %parallel_loop3A_503 : vector<16xf32>
      %parallel_loop3A_505 = arith.constant 80 : i32
      %parallel_loop3A_506 = arith.addi %parallel_loop3A_464, %parallel_loop3A_505 : i32
      %parallel_loop3A_507 = arith.constant 1 : i32
      %parallel_loop3A_508 = arith.index_cast %parallel_loop3A_507 : i32 to index
      %parallel_loop3A_509 = arith.index_cast %parallel_loop3A_506 : i32 to index
      %parallel_loop3A_510 = tpu.vector_load %arg7[%parallel_loop3A_508, %parallel_loop3A_509] {strides = array<i32>} : memref<2x31744xf32, #tpu.memory_space<vmem>>, vector<1x16xf32>,
      %parallel_loop3A_511 = vector.shape_cast %parallel_loop3A_510 : vector<1x16xf32> to vector<16xf32>
      %parallel_loop3A_512 = arith.addf %parallel_loop3A_460, %parallel_loop3A_511 : vector<16xf32>
      %parallel_loop3A_513 = arith.constant 96 : i32
      %parallel_loop3A_514 = arith.addi %parallel_loop3A_464, %parallel_loop3A_513 : i32
      %parallel_loop3A_515 = arith.constant 1 : i32
      %parallel_loop3A_516 = arith.index_cast %parallel_loop3A_515 : i32 to index
      %parallel_loop3A_517 = arith.index_cast %parallel_loop3A_514 : i32 to index
      %parallel_loop3A_518 = tpu.vector_load %arg7[%parallel_loop3A_516, %parallel_loop3A_517] {strides = array<i32>} : memref<2x31744xf32, #tpu.memory_space<vmem>>, vector<1x16xf32>,
      %parallel_loop3A_519 = vector.shape_cast %parallel_loop3A_518 : vector<1x16xf32> to vector<16xf32>
      %parallel_loop3A_520 = arith.addf %parallel_loop3A_461, %parallel_loop3A_519 : vector<16xf32>
      %parallel_loop3A_521 = arith.constant 112 : i32
      %parallel_loop3A_522 = arith.addi %parallel_loop3A_464, %parallel_loop3A_521 : i32
      %parallel_loop3A_523 = arith.constant 1 : i32
      %parallel_loop3A_524 = arith.index_cast %parallel_loop3A_523 : i32 to index
      %parallel_loop3A_525 = arith.index_cast %parallel_loop3A_522 : i32 to index
      %parallel_loop3A_526 = tpu.vector_load %arg7[%parallel_loop3A_524, %parallel_loop3A_525] {strides = array<i32>} : memref<2x31744xf32, #tpu.memory_space<vmem>>, vector<1x16xf32>,
      %parallel_loop3A_527 = vector.shape_cast %parallel_loop3A_526 : vector<1x16xf32> to vector<16xf32>
      %parallel_loop3A_528 = arith.addf %parallel_loop3A_462, %parallel_loop3A_527 : vector<16xf32>
      scf.yield %parallel_loop3A_472, %parallel_loop3A_480, %parallel_loop3A_488, %parallel_loop3A_496, %parallel_loop3A_504, %parallel_loop3A_512, %parallel_loop3A_520, %parallel_loop3A_528 : vector<16xf32>, vector<16xf32>, vector<16xf32>, vector<16xf32>, vector<16xf32>, vector<16xf32>, vector<16xf32>, vector<16xf32>
    } {sc.loop_unroll_factor = 2 : i64, sc.parallel_access}
    %add3A_153 = arith.addf %parallel_loop3A_152#0, %parallel_loop3A_152#1 : vector<16xf32>
    %add3A_154 = arith.addf %add3A_153, %parallel_loop3A_152#2 : vector<16xf32>
    %add3A_155 = arith.addf %add3A_154, %parallel_loop3A_152#3 : vector<16xf32>
    %add3A_156 = arith.addf %add3A_155, %parallel_loop3A_152#4 : vector<16xf32>
    %add3A_157 = arith.addf %add3A_156, %parallel_loop3A_152#5 : vector<16xf32>
    %add3A_158 = arith.addf %add3A_157, %parallel_loop3A_152#6 : vector<16xf32>
    %add3A_159 = arith.addf %add3A_158, %parallel_loop3A_152#7 : vector<16xf32>
    %slice3A_160 = vector.extract_strided_slice %add3A_159 {offsets = [0], sizes = [1], strides = [1]} : vector<16xf32> to vector<1xf32>
    %squeeze3A_161 = vector.extract %slice3A_160[0] : f32 from vector<1xf32>
    %slice3A_162 = vector.extract_strided_slice %add3A_159 {offsets = [1], sizes = [1], strides = [1]} : vector<16xf32> to vector<1xf32>
    %squeeze3A_163 = vector.extract %slice3A_162[0] : f32 from vector<1xf32>
    %add3A_164 = arith.addf %squeeze3A_161, %squeeze3A_163 : f32
    %slice3A_165 = vector.extract_strided_slice %add3A_159 {offsets = [2], sizes = [1], strides = [1]} : vector<16xf32> to vector<1xf32>
    %squeeze3A_166 = vector.extract %slice3A_165[0] : f32 from vector<1xf32>
    %add3A_167 = arith.addf %add3A_164, %squeeze3A_166 : f32
    %slice3A_168 = vector.extract_strided_slice %add3A_159 {offsets = [3], sizes = [1], strides = [1]} : vector<16xf32> to vector<1xf32>
    %squeeze3A_169 = vector.extract %slice3A_168[0] : f32 from vector<1xf32>
    %add3A_170 = arith.addf %add3A_167, %squeeze3A_169 : f32
    %slice3A_171 = vector.extract_strided_slice %add3A_159 {offsets = [4], sizes = [1], strides = [1]} : vector<16xf32> to vector<1xf32>
    %squeeze3A_172 = vector.extract %slice3A_171[0] : f32 from vector<1xf32>
    %add3A_173 = arith.addf %add3A_170, %squeeze3A_172 : f32
    %slice3A_174 = vector.extract_strided_slice %add3A_159 {offsets = [5], sizes = [1], strides = [1]} : vector<16xf32> to vector<1xf32>
    %squeeze3A_175 = vector.extract %slice3A_174[0] : f32 from vector<1xf32>
    %add3A_176 = arith.addf %add3A_173, %squeeze3A_175 : f32
    %slice3A_177 = vector.extract_strided_slice %add3A_159 {offsets = [6], sizes = [1], strides = [1]} : vector<16xf32> to vector<1xf32>
    %squeeze3A_178 = vector.extract %slice3A_177[0] : f32 from vector<1xf32>
    %add3A_179 = arith.addf %add3A_176, %squeeze3A_178 : f32
    %slice3A_180 = vector.extract_strided_slice %add3A_159 {offsets = [7], sizes = [1], strides = [1]} : vector<16xf32> to vector<1xf32>
    %squeeze3A_181 = vector.extract %slice3A_180[0] : f32 from vector<1xf32>
    %add3A_182 = arith.addf %add3A_179, %squeeze3A_181 : f32
    %slice3A_183 = vector.extract_strided_slice %add3A_159 {offsets = [8], sizes = [1], strides = [1]} : vector<16xf32> to vector<1xf32>
    %squeeze3A_184 = vector.extract %slice3A_183[0] : f32 from vector<1xf32>
    %add3A_185 = arith.addf %add3A_182, %squeeze3A_184 : f32
    %slice3A_186 = vector.extract_strided_slice %add3A_159 {offsets = [9], sizes = [1], strides = [1]} : vector<16xf32> to vector<1xf32>
    %squeeze3A_187 = vector.extract %slice3A_186[0] : f32 from vector<1xf32>
    %add3A_188 = arith.addf %add3A_185, %squeeze3A_187 : f32
    %slice3A_189 = vector.extract_strided_slice %add3A_159 {offsets = [10], sizes = [1], strides = [1]} : vector<16xf32> to vector<1xf32>
    %squeeze3A_190 = vector.extract %slice3A_189[0] : f32 from vector<1xf32>
    %add3A_191 = arith.addf %add3A_188, %squeeze3A_190 : f32
    %slice3A_192 = vector.extract_strided_slice %add3A_159 {offsets = [11], sizes = [1], strides = [1]} : vector<16xf32> to vector<1xf32>
    %squeeze3A_193 = vector.extract %slice3A_192[0] : f32 from vector<1xf32>
    %add3A_194 = arith.addf %add3A_191, %squeeze3A_193 : f32
    %slice3A_195 = vector.extract_strided_slice %add3A_159 {offsets = [12], sizes = [1], strides = [1]} : vector<16xf32> to vector<1xf32>
    %squeeze3A_196 = vector.extract %slice3A_195[0] : f32 from vector<1xf32>
    %add3A_197 = arith.addf %add3A_194, %squeeze3A_196 : f32
    %slice3A_198 = vector.extract_strided_slice %add3A_159 {offsets = [13], sizes = [1], strides = [1]} : vector<16xf32> to vector<1xf32>
    %squeeze3A_199 = vector.extract %slice3A_198[0] : f32 from vector<1xf32>
    %add3A_200 = arith.addf %add3A_197, %squeeze3A_199 : f32
    %slice3A_201 = vector.extract_strided_slice %add3A_159 {offsets = [14], sizes = [1], strides = [1]} : vector<16xf32> to vector<1xf32>
    %squeeze3A_202 = vector.extract %slice3A_201[0] : f32 from vector<1xf32>
    %add3A_203 = arith.addf %add3A_200, %squeeze3A_202 : f32
    %slice3A_204 = vector.extract_strided_slice %add3A_159 {offsets = [15], sizes = [1], strides = [1]} : vector<16xf32> to vector<1xf32>
    %squeeze3A_205 = vector.extract %slice3A_204[0] : f32 from vector<1xf32>
    %add3A_206 = arith.addf %add3A_203, %squeeze3A_205 : f32
    %mul3A_207 = arith.mulf %squeeze3A_6, %add3A_206 : f32
    %add3A_208 = arith.addf %squeeze3A, %mul3A_207 : f32
    %parallel_loop3A_209 = arith.constant 0 : i32
    %parallel_loop3A_210 = arith.constant 64 : i32
    %parallel_loop3A_211 = arith.constant 1 : i32
    scf.for %parallel_loop3A_454 = %parallel_loop3A_209 to %parallel_loop3A_210 step %parallel_loop3A_211  : i32 {
      %parallel_loop3A_455 = arith.constant 16 : i32
      %parallel_loop3A_456 = arith.muli %parallel_loop3A_454, %parallel_loop3A_455 : i32
      %parallel_loop3A_457 = arith.index_cast %parallel_loop3A_456 : i32 to index
      %parallel_loop3A_458 = tpu.vector_load %arg9[%parallel_loop3A_457] {strides = array<i32>} : memref<1024xf32, #tpu.memory_space<vmem>>, vector<16xf32>,
      %parallel_loop3A_459 = vector.shape_cast %parallel_loop3A_458 : vector<16xf32> to vector<16xf32>
      %parallel_loop3A_460 = vector.broadcast %add3A_208 : f32 to vector<16xf32>
      %parallel_loop3A_461 = arith.mulf %parallel_loop3A_460, %parallel_loop3A_459 : vector<16xf32>
      %parallel_loop3A_462 = arith.index_cast %parallel_loop3A_456 : i32 to index
      %parallel_loop3A_463 = tpu.vector_load %arg10[%parallel_loop3A_462] {strides = array<i32>} : memref<1024xf32, #tpu.memory_space<vmem>>, vector<16xf32>,
      %parallel_loop3A_464 = vector.shape_cast %parallel_loop3A_463 : vector<16xf32> to vector<16xf32>
      %parallel_loop3A_465 = arith.addf %parallel_loop3A_461, %parallel_loop3A_464 : vector<16xf32>
      %parallel_loop3A_466 = arith.constant 0.000000e+00 : f32
      %parallel_loop3A_467 = vector.broadcast %parallel_loop3A_466 : f32 to vector<16xf32>
      %parallel_loop3A_468 = arith.maximumf %parallel_loop3A_465, %parallel_loop3A_467 : vector<16xf32>
      %parallel_loop3A_469 = arith.constant 1 : i32
      %parallel_loop3A_470 = arith.index_cast %parallel_loop3A_469 : i32 to index
      %parallel_loop3A_471 = arith.index_cast %parallel_loop3A_456 : i32 to index
      %parallel_loop3A_472 = tpu.vector_load %arg11[%parallel_loop3A_470, %parallel_loop3A_471] {strides = array<i32>} : memref<4x1024xf32, #tpu.memory_space<vmem>>, vector<1x16xf32>,
      %parallel_loop3A_473 = vector.shape_cast %parallel_loop3A_472 : vector<1x16xf32> to vector<16xf32>
      %parallel_loop3A_474 = vector.shape_cast %parallel_loop3A_468 : vector<16xf32> to vector<1x16xf32>
      tpu.vector_store %arg11[%parallel_loop3A_470, %parallel_loop3A_471], %parallel_loop3A_474 {strides = array<i32>} : memref<4x1024xf32, #tpu.memory_space<vmem>>, vector<1x16xf32>,
    } {sc.loop_unroll_factor = 4 : i64, sc.parallel_access}
    %add3A_212 = arith.constant 1 : i32
    %add3A_213 = arith.addi %mul3A_2, %add3A_212 : i32
    %mul3A_214 = arith.constant 1024 : i32
    %mul3A_215 = arith.muli %add3A_213, %mul3A_214 : i32
    %multiple_of3A_216 = tpu.assume_multiple %mul3A_215, 8 : i32
    %dma_start3A_217 = arith.constant 1 : i32
    %dma_start3A_218 = arith.constant 0 : i32
    %dma_start3A_219 = tpu.memref_slice %arg11[%dma_start3A_217, %dma_start3A_218] : memref<4x1024xf32, #tpu.memory_space<vmem>> -> memref<1x1024xf32, #tpu.memory_space<vmem>>
    %dma_start3A_220 = tpu.memref_squeeze %dma_start3A_219 : memref<1x1024xf32, #tpu.memory_space<vmem>> -> memref<1024xf32, #tpu.memory_space<vmem>>
    %dma_start3A_221 = tpu.memref_slice %arg6[%multiple_of3A_216] : memref<131072xf32, #tpu.memory_space<hbm>> -> memref<1024xf32, #tpu.memory_space<hbm>>
    %dma_start3A_222 = tpu.memref_slice %arg6[%multiple_of3A_216] : memref<131072xf32, #tpu.memory_space<hbm>> -> memref<1024xf32, #tpu.memory_space<hbm>>
    %dma_start3A_223 = arith.constant 0 : i32
    %dma_start3A_224 = tpu.memref_slice %arg11[%dma_start3A_217, %dma_start3A_223] : memref<4x1024xf32, #tpu.memory_space<vmem>> -> memref<1x1024xf32, #tpu.memory_space<vmem>>
    %dma_start3A_225 = tpu.memref_squeeze %dma_start3A_224 : memref<1x1024xf32, #tpu.memory_space<vmem>> -> memref<1024xf32, #tpu.memory_space<vmem>>
    tpu.enqueue_dma source(%dma_start3A_225 : memref<1024xf32, #tpu.memory_space<vmem>>) target(%dma_start3A_222 : memref<1024xf32, #tpu.memory_space<hbm>>) target_semaphore(%arg14 : memref<!tpu.dma_semaphore, #tpu.memory_space<semaphore_mem>>)
    %add3A_226 = arith.constant 3 : i32
    %add3A_227 = arith.addi %mul3A_2, %add3A_226 : i32
    %mul3A_228 = arith.constant 32768 : i32
    %mul3A_229 = arith.muli %add3A_227, %mul3A_228 : i32
    %add3A_230 = arith.constant 1024 : i32
    %add3A_231 = arith.addi %mul3A_229, %add3A_230 : i32
    %multiple_of3A_232 = tpu.assume_multiple %add3A_231, 8 : i32
    %dma_start3A_233 = arith.constant 1 : i32
    %dma_start3A_234 = arith.constant 0 : i32
    %dma_start3A_235 = tpu.memref_slice %arg7[%dma_start3A_233, %dma_start3A_234] : memref<2x31744xf32, #tpu.memory_space<vmem>> -> memref<1x31744xf32, #tpu.memory_space<vmem>>
    %dma_start3A_236 = tpu.memref_squeeze %dma_start3A_235 : memref<1x31744xf32, #tpu.memory_space<vmem>> -> memref<31744xf32, #tpu.memory_space<vmem>>
    %dma_start3A_237 = tpu.memref_slice %arg2[%multiple_of3A_232] : memref<4194304xf32, #tpu.memory_space<hbm>> -> memref<31744xf32, #tpu.memory_space<hbm>>
    %dma_start3A_238 = arith.constant 0 : i32
    %dma_start3A_239 = tpu.memref_slice %arg7[%dma_start3A_233, %dma_start3A_238] : memref<2x31744xf32, #tpu.memory_space<vmem>> -> memref<1x31744xf32, #tpu.memory_space<vmem>>
    %dma_start3A_240 = tpu.memref_squeeze %dma_start3A_239 : memref<1x31744xf32, #tpu.memory_space<vmem>> -> memref<31744xf32, #tpu.memory_space<vmem>>
    %dma_start3A_241 = tpu.memref_slice %arg2[%multiple_of3A_232] : memref<4194304xf32, #tpu.memory_space<hbm>> -> memref<31744xf32, #tpu.memory_space<hbm>>
    tpu.enqueue_dma source(%dma_start3A_241 : memref<31744xf32, #tpu.memory_space<hbm>>) target(%dma_start3A_240 : memref<31744xf32, #tpu.memory_space<vmem>>) target_semaphore(%arg13 : memref<!tpu.dma_semaphore, #tpu.memory_space<semaphore_mem>>)
    %dma_wait3A_242 = arith.constant 0 : i32
    %dma_wait3A_243 = arith.constant 0 : i32
    %dma_wait3A_244 = tpu.memref_slice %arg7[%dma_wait3A_242, %dma_wait3A_243] : memref<2x31744xf32, #tpu.memory_space<vmem>> -> memref<1x31744xf32, #tpu.memory_space<vmem>>
    %dma_wait3A_245 = tpu.memref_squeeze %dma_wait3A_244 : memref<1x31744xf32, #tpu.memory_space<vmem>> -> memref<31744xf32, #tpu.memory_space<vmem>>
    %dma_wait3A_246 = tpu.memref_slice %arg2[%multiple_of3A_128] : memref<4194304xf32, #tpu.memory_space<hbm>> -> memref<31744xf32, #tpu.memory_space<hbm>>
    %dma_wait3A_247 = arith.constant 0 : i32
    %dma_wait3A_248 = tpu.memref_slice %arg7[%dma_wait3A_242, %dma_wait3A_247] : memref<2x31744xf32, #tpu.memory_space<vmem>> -> memref<1x31744xf32, #tpu.memory_space<vmem>>
    %dma_wait3A_249 = tpu.memref_squeeze %dma_wait3A_248 : memref<1x31744xf32, #tpu.memory_space<vmem>> -> memref<31744xf32, #tpu.memory_space<vmem>>
    %dma_wait3A_250 = tpu.memref_slice %arg2[%multiple_of3A_128] : memref<4194304xf32, #tpu.memory_space<hbm>> -> memref<31744xf32, #tpu.memory_space<hbm>>
    tpu.wait_dma2 semaphore(%arg12 : memref<!tpu.dma_semaphore, #tpu.memory_space<semaphore_mem>>) src(%dma_wait3A_250 : memref<31744xf32, #tpu.memory_space<hbm>>) dst(%dma_wait3A_249 : memref<31744xf32, #tpu.memory_space<vmem>>)
    %broadcast_in_dim3A_251 = arith.constant 0.000000e+00 : f32
    %broadcast_in_dim3A_252 = vector.broadcast %broadcast_in_dim3A_251 : f32 to vector<16xf32>
    %parallel_loop3A_253 = arith.constant 0 : i32
    %parallel_loop3A_254 = arith.constant 248 : i32
    %parallel_loop3A_255 = arith.constant 1 : i32
    %parallel_loop3A_256:8 = scf.for %parallel_loop3A_454 = %parallel_loop3A_253 to %parallel_loop3A_254 step %parallel_loop3A_255 iter_args(%parallel_loop3A_455 = %broadcast_in_dim3A_252, %parallel_loop3A_456 = %broadcast_in_dim3A_252, %parallel_loop3A_457 = %broadcast_in_dim3A_252, %parallel_loop3A_458 = %broadcast_in_dim3A_252, %parallel_loop3A_459 = %broadcast_in_dim3A_252, %parallel_loop3A_460 = %broadcast_in_dim3A_252, %parallel_loop3A_461 = %broadcast_in_dim3A_252, %parallel_loop3A_462 = %broadcast_in_dim3A_252) -> (vector<16xf32>, vector<16xf32>, vector<16xf32>, vector<16xf32>, vector<16xf32>, vector<16xf32>, vector<16xf32>, vector<16xf32>)  : i32 {
      %parallel_loop3A_463 = arith.constant 128 : i32
      %parallel_loop3A_464 = arith.muli %parallel_loop3A_454, %parallel_loop3A_463 : i32
      %parallel_loop3A_465 = arith.constant 0 : i32
      %parallel_loop3A_466 = arith.addi %parallel_loop3A_464, %parallel_loop3A_465 : i32
      %parallel_loop3A_467 = arith.constant 0 : i32
      %parallel_loop3A_468 = arith.index_cast %parallel_loop3A_467 : i32 to index
      %parallel_loop3A_469 = arith.index_cast %parallel_loop3A_466 : i32 to index
      %parallel_loop3A_470 = tpu.vector_load %arg7[%parallel_loop3A_468, %parallel_loop3A_469] {strides = array<i32>} : memref<2x31744xf32, #tpu.memory_space<vmem>>, vector<1x16xf32>,
      %parallel_loop3A_471 = vector.shape_cast %parallel_loop3A_470 : vector<1x16xf32> to vector<16xf32>
      %parallel_loop3A_472 = arith.addf %parallel_loop3A_455, %parallel_loop3A_471 : vector<16xf32>
      %parallel_loop3A_473 = arith.constant 16 : i32
      %parallel_loop3A_474 = arith.addi %parallel_loop3A_464, %parallel_loop3A_473 : i32
      %parallel_loop3A_475 = arith.constant 0 : i32
      %parallel_loop3A_476 = arith.index_cast %parallel_loop3A_475 : i32 to index
      %parallel_loop3A_477 = arith.index_cast %parallel_loop3A_474 : i32 to index
      %parallel_loop3A_478 = tpu.vector_load %arg7[%parallel_loop3A_476, %parallel_loop3A_477] {strides = array<i32>} : memref<2x31744xf32, #tpu.memory_space<vmem>>, vector<1x16xf32>,
      %parallel_loop3A_479 = vector.shape_cast %parallel_loop3A_478 : vector<1x16xf32> to vector<16xf32>
      %parallel_loop3A_480 = arith.addf %parallel_loop3A_456, %parallel_loop3A_479 : vector<16xf32>
      %parallel_loop3A_481 = arith.constant 32 : i32
      %parallel_loop3A_482 = arith.addi %parallel_loop3A_464, %parallel_loop3A_481 : i32
      %parallel_loop3A_483 = arith.constant 0 : i32
      %parallel_loop3A_484 = arith.index_cast %parallel_loop3A_483 : i32 to index
      %parallel_loop3A_485 = arith.index_cast %parallel_loop3A_482 : i32 to index
      %parallel_loop3A_486 = tpu.vector_load %arg7[%parallel_loop3A_484, %parallel_loop3A_485] {strides = array<i32>} : memref<2x31744xf32, #tpu.memory_space<vmem>>, vector<1x16xf32>,
      %parallel_loop3A_487 = vector.shape_cast %parallel_loop3A_486 : vector<1x16xf32> to vector<16xf32>
      %parallel_loop3A_488 = arith.addf %parallel_loop3A_457, %parallel_loop3A_487 : vector<16xf32>
      %parallel_loop3A_489 = arith.constant 48 : i32
      %parallel_loop3A_490 = arith.addi %parallel_loop3A_464, %parallel_loop3A_489 : i32
      %parallel_loop3A_491 = arith.constant 0 : i32
      %parallel_loop3A_492 = arith.index_cast %parallel_loop3A_491 : i32 to index
      %parallel_loop3A_493 = arith.index_cast %parallel_loop3A_490 : i32 to index
      %parallel_loop3A_494 = tpu.vector_load %arg7[%parallel_loop3A_492, %parallel_loop3A_493] {strides = array<i32>} : memref<2x31744xf32, #tpu.memory_space<vmem>>, vector<1x16xf32>,
      %parallel_loop3A_495 = vector.shape_cast %parallel_loop3A_494 : vector<1x16xf32> to vector<16xf32>
      %parallel_loop3A_496 = arith.addf %parallel_loop3A_458, %parallel_loop3A_495 : vector<16xf32>
      %parallel_loop3A_497 = arith.constant 64 : i32
      %parallel_loop3A_498 = arith.addi %parallel_loop3A_464, %parallel_loop3A_497 : i32
      %parallel_loop3A_499 = arith.constant 0 : i32
      %parallel_loop3A_500 = arith.index_cast %parallel_loop3A_499 : i32 to index
      %parallel_loop3A_501 = arith.index_cast %parallel_loop3A_498 : i32 to index
      %parallel_loop3A_502 = tpu.vector_load %arg7[%parallel_loop3A_500, %parallel_loop3A_501] {strides = array<i32>} : memref<2x31744xf32, #tpu.memory_space<vmem>>, vector<1x16xf32>,
      %parallel_loop3A_503 = vector.shape_cast %parallel_loop3A_502 : vector<1x16xf32> to vector<16xf32>
      %parallel_loop3A_504 = arith.addf %parallel_loop3A_459, %parallel_loop3A_503 : vector<16xf32>
      %parallel_loop3A_505 = arith.constant 80 : i32
      %parallel_loop3A_506 = arith.addi %parallel_loop3A_464, %parallel_loop3A_505 : i32
      %parallel_loop3A_507 = arith.constant 0 : i32
      %parallel_loop3A_508 = arith.index_cast %parallel_loop3A_507 : i32 to index
      %parallel_loop3A_509 = arith.index_cast %parallel_loop3A_506 : i32 to index
      %parallel_loop3A_510 = tpu.vector_load %arg7[%parallel_loop3A_508, %parallel_loop3A_509] {strides = array<i32>} : memref<2x31744xf32, #tpu.memory_space<vmem>>, vector<1x16xf32>,
      %parallel_loop3A_511 = vector.shape_cast %parallel_loop3A_510 : vector<1x16xf32> to vector<16xf32>
      %parallel_loop3A_512 = arith.addf %parallel_loop3A_460, %parallel_loop3A_511 : vector<16xf32>
      %parallel_loop3A_513 = arith.constant 96 : i32
      %parallel_loop3A_514 = arith.addi %parallel_loop3A_464, %parallel_loop3A_513 : i32
      %parallel_loop3A_515 = arith.constant 0 : i32
      %parallel_loop3A_516 = arith.index_cast %parallel_loop3A_515 : i32 to index
      %parallel_loop3A_517 = arith.index_cast %parallel_loop3A_514 : i32 to index
      %parallel_loop3A_518 = tpu.vector_load %arg7[%parallel_loop3A_516, %parallel_loop3A_517] {strides = array<i32>} : memref<2x31744xf32, #tpu.memory_space<vmem>>, vector<1x16xf32>,
      %parallel_loop3A_519 = vector.shape_cast %parallel_loop3A_518 : vector<1x16xf32> to vector<16xf32>
      %parallel_loop3A_520 = arith.addf %parallel_loop3A_461, %parallel_loop3A_519 : vector<16xf32>
      %parallel_loop3A_521 = arith.constant 112 : i32
      %parallel_loop3A_522 = arith.addi %parallel_loop3A_464, %parallel_loop3A_521 : i32
      %parallel_loop3A_523 = arith.constant 0 : i32
      %parallel_loop3A_524 = arith.index_cast %parallel_loop3A_523 : i32 to index
      %parallel_loop3A_525 = arith.index_cast %parallel_loop3A_522 : i32 to index
      %parallel_loop3A_526 = tpu.vector_load %arg7[%parallel_loop3A_524, %parallel_loop3A_525] {strides = array<i32>} : memref<2x31744xf32, #tpu.memory_space<vmem>>, vector<1x16xf32>,
      %parallel_loop3A_527 = vector.shape_cast %parallel_loop3A_526 : vector<1x16xf32> to vector<16xf32>
      %parallel_loop3A_528 = arith.addf %parallel_loop3A_462, %parallel_loop3A_527 : vector<16xf32>
      scf.yield %parallel_loop3A_472, %parallel_loop3A_480, %parallel_loop3A_488, %parallel_loop3A_496, %parallel_loop3A_504, %parallel_loop3A_512, %parallel_loop3A_520, %parallel_loop3A_528 : vector<16xf32>, vector<16xf32>, vector<16xf32>, vector<16xf32>, vector<16xf32>, vector<16xf32>, vector<16xf32>, vector<16xf32>
    } {sc.loop_unroll_factor = 2 : i64, sc.parallel_access}
    %add3A_257 = arith.addf %parallel_loop3A_256#0, %parallel_loop3A_256#1 : vector<16xf32>
    %add3A_258 = arith.addf %add3A_257, %parallel_loop3A_256#2 : vector<16xf32>
    %add3A_259 = arith.addf %add3A_258, %parallel_loop3A_256#3 : vector<16xf32>
    %add3A_260 = arith.addf %add3A_259, %parallel_loop3A_256#4 : vector<16xf32>
    %add3A_261 = arith.addf %add3A_260, %parallel_loop3A_256#5 : vector<16xf32>
    %add3A_262 = arith.addf %add3A_261, %parallel_loop3A_256#6 : vector<16xf32>
    %add3A_263 = arith.addf %add3A_262, %parallel_loop3A_256#7 : vector<16xf32>
    %slice3A_264 = vector.extract_strided_slice %add3A_263 {offsets = [0], sizes = [1], strides = [1]} : vector<16xf32> to vector<1xf32>
    %squeeze3A_265 = vector.extract %slice3A_264[0] : f32 from vector<1xf32>
    %slice3A_266 = vector.extract_strided_slice %add3A_263 {offsets = [1], sizes = [1], strides = [1]} : vector<16xf32> to vector<1xf32>
    %squeeze3A_267 = vector.extract %slice3A_266[0] : f32 from vector<1xf32>
    %add3A_268 = arith.addf %squeeze3A_265, %squeeze3A_267 : f32
    %slice3A_269 = vector.extract_strided_slice %add3A_263 {offsets = [2], sizes = [1], strides = [1]} : vector<16xf32> to vector<1xf32>
    %squeeze3A_270 = vector.extract %slice3A_269[0] : f32 from vector<1xf32>
    %add3A_271 = arith.addf %add3A_268, %squeeze3A_270 : f32
    %slice3A_272 = vector.extract_strided_slice %add3A_263 {offsets = [3], sizes = [1], strides = [1]} : vector<16xf32> to vector<1xf32>
    %squeeze3A_273 = vector.extract %slice3A_272[0] : f32 from vector<1xf32>
    %add3A_274 = arith.addf %add3A_271, %squeeze3A_273 : f32
    %slice3A_275 = vector.extract_strided_slice %add3A_263 {offsets = [4], sizes = [1], strides = [1]} : vector<16xf32> to vector<1xf32>
    %squeeze3A_276 = vector.extract %slice3A_275[0] : f32 from vector<1xf32>
    %add3A_277 = arith.addf %add3A_274, %squeeze3A_276 : f32
    %slice3A_278 = vector.extract_strided_slice %add3A_263 {offsets = [5], sizes = [1], strides = [1]} : vector<16xf32> to vector<1xf32>
    %squeeze3A_279 = vector.extract %slice3A_278[0] : f32 from vector<1xf32>
    %add3A_280 = arith.addf %add3A_277, %squeeze3A_279 : f32
    %slice3A_281 = vector.extract_strided_slice %add3A_263 {offsets = [6], sizes = [1], strides = [1]} : vector<16xf32> to vector<1xf32>
    %squeeze3A_282 = vector.extract %slice3A_281[0] : f32 from vector<1xf32>
    %add3A_283 = arith.addf %add3A_280, %squeeze3A_282 : f32
    %slice3A_284 = vector.extract_strided_slice %add3A_263 {offsets = [7], sizes = [1], strides = [1]} : vector<16xf32> to vector<1xf32>
    %squeeze3A_285 = vector.extract %slice3A_284[0] : f32 from vector<1xf32>
    %add3A_286 = arith.addf %add3A_283, %squeeze3A_285 : f32
    %slice3A_287 = vector.extract_strided_slice %add3A_263 {offsets = [8], sizes = [1], strides = [1]} : vector<16xf32> to vector<1xf32>
    %squeeze3A_288 = vector.extract %slice3A_287[0] : f32 from vector<1xf32>
    %add3A_289 = arith.addf %add3A_286, %squeeze3A_288 : f32
    %slice3A_290 = vector.extract_strided_slice %add3A_263 {offsets = [9], sizes = [1], strides = [1]} : vector<16xf32> to vector<1xf32>
    %squeeze3A_291 = vector.extract %slice3A_290[0] : f32 from vector<1xf32>
    %add3A_292 = arith.addf %add3A_289, %squeeze3A_291 : f32
    %slice3A_293 = vector.extract_strided_slice %add3A_263 {offsets = [10], sizes = [1], strides = [1]} : vector<16xf32> to vector<1xf32>
    %squeeze3A_294 = vector.extract %slice3A_293[0] : f32 from vector<1xf32>
    %add3A_295 = arith.addf %add3A_292, %squeeze3A_294 : f32
    %slice3A_296 = vector.extract_strided_slice %add3A_263 {offsets = [11], sizes = [1], strides = [1]} : vector<16xf32> to vector<1xf32>
    %squeeze3A_297 = vector.extract %slice3A_296[0] : f32 from vector<1xf32>
    %add3A_298 = arith.addf %add3A_295, %squeeze3A_297 : f32
    %slice3A_299 = vector.extract_strided_slice %add3A_263 {offsets = [12], sizes = [1], strides = [1]} : vector<16xf32> to vector<1xf32>
    %squeeze3A_300 = vector.extract %slice3A_299[0] : f32 from vector<1xf32>
    %add3A_301 = arith.addf %add3A_298, %squeeze3A_300 : f32
    %slice3A_302 = vector.extract_strided_slice %add3A_263 {offsets = [13], sizes = [1], strides = [1]} : vector<16xf32> to vector<1xf32>
    %squeeze3A_303 = vector.extract %slice3A_302[0] : f32 from vector<1xf32>
    %add3A_304 = arith.addf %add3A_301, %squeeze3A_303 : f32
    %slice3A_305 = vector.extract_strided_slice %add3A_263 {offsets = [14], sizes = [1], strides = [1]} : vector<16xf32> to vector<1xf32>
    %squeeze3A_306 = vector.extract %slice3A_305[0] : f32 from vector<1xf32>
    %add3A_307 = arith.addf %add3A_304, %squeeze3A_306 : f32
    %slice3A_308 = vector.extract_strided_slice %add3A_263 {offsets = [15], sizes = [1], strides = [1]} : vector<16xf32> to vector<1xf32>
    %squeeze3A_309 = vector.extract %slice3A_308[0] : f32 from vector<1xf32>
    %add3A_310 = arith.addf %add3A_307, %squeeze3A_309 : f32
    %mul3A_311 = arith.mulf %squeeze3A_6, %add3A_310 : f32
    %add3A_312 = arith.addf %squeeze3A, %mul3A_311 : f32
    %parallel_loop3A_313 = arith.constant 0 : i32
    %parallel_loop3A_314 = arith.constant 64 : i32
    %parallel_loop3A_315 = arith.constant 1 : i32
    scf.for %parallel_loop3A_454 = %parallel_loop3A_313 to %parallel_loop3A_314 step %parallel_loop3A_315  : i32 {
      %parallel_loop3A_455 = arith.constant 16 : i32
      %parallel_loop3A_456 = arith.muli %parallel_loop3A_454, %parallel_loop3A_455 : i32
      %parallel_loop3A_457 = arith.index_cast %parallel_loop3A_456 : i32 to index
      %parallel_loop3A_458 = tpu.vector_load %arg9[%parallel_loop3A_457] {strides = array<i32>} : memref<1024xf32, #tpu.memory_space<vmem>>, vector<16xf32>,
      %parallel_loop3A_459 = vector.shape_cast %parallel_loop3A_458 : vector<16xf32> to vector<16xf32>
      %parallel_loop3A_460 = vector.broadcast %add3A_312 : f32 to vector<16xf32>
      %parallel_loop3A_461 = arith.mulf %parallel_loop3A_460, %parallel_loop3A_459 : vector<16xf32>
      %parallel_loop3A_462 = arith.index_cast %parallel_loop3A_456 : i32 to index
      %parallel_loop3A_463 = tpu.vector_load %arg10[%parallel_loop3A_462] {strides = array<i32>} : memref<1024xf32, #tpu.memory_space<vmem>>, vector<16xf32>,
      %parallel_loop3A_464 = vector.shape_cast %parallel_loop3A_463 : vector<16xf32> to vector<16xf32>
      %parallel_loop3A_465 = arith.addf %parallel_loop3A_461, %parallel_loop3A_464 : vector<16xf32>
      %parallel_loop3A_466 = arith.constant 0.000000e+00 : f32
      %parallel_loop3A_467 = vector.broadcast %parallel_loop3A_466 : f32 to vector<16xf32>
      %parallel_loop3A_468 = arith.maximumf %parallel_loop3A_465, %parallel_loop3A_467 : vector<16xf32>
      %parallel_loop3A_469 = arith.constant 2 : i32
      %parallel_loop3A_470 = arith.index_cast %parallel_loop3A_469 : i32 to index
      %parallel_loop3A_471 = arith.index_cast %parallel_loop3A_456 : i32 to index
      %parallel_loop3A_472 = tpu.vector_load %arg11[%parallel_loop3A_470, %parallel_loop3A_471] {strides = array<i32>} : memref<4x1024xf32, #tpu.memory_space<vmem>>, vector<1x16xf32>,
      %parallel_loop3A_473 = vector.shape_cast %parallel_loop3A_472 : vector<1x16xf32> to vector<16xf32>
      %parallel_loop3A_474 = vector.shape_cast %parallel_loop3A_468 : vector<16xf32> to vector<1x16xf32>
      tpu.vector_store %arg11[%parallel_loop3A_470, %parallel_loop3A_471], %parallel_loop3A_474 {strides = array<i32>} : memref<4x1024xf32, #tpu.memory_space<vmem>>, vector<1x16xf32>,
    } {sc.loop_unroll_factor = 4 : i64, sc.parallel_access}
    %add3A_316 = arith.constant 2 : i32
    %add3A_317 = arith.addi %mul3A_2, %add3A_316 : i32
    %mul3A_318 = arith.constant 1024 : i32
    %mul3A_319 = arith.muli %add3A_317, %mul3A_318 : i32
    %multiple_of3A_320 = tpu.assume_multiple %mul3A_319, 8 : i32
    %dma_start3A_321 = arith.constant 2 : i32
    %dma_start3A_322 = arith.constant 0 : i32
    %dma_start3A_323 = tpu.memref_slice %arg11[%dma_start3A_321, %dma_start3A_322] : memref<4x1024xf32, #tpu.memory_space<vmem>> -> memref<1x1024xf32, #tpu.memory_space<vmem>>
    %dma_start3A_324 = tpu.memref_squeeze %dma_start3A_323 : memref<1x1024xf32, #tpu.memory_space<vmem>> -> memref<1024xf32, #tpu.memory_space<vmem>>
    %dma_start3A_325 = tpu.memref_slice %arg6[%multiple_of3A_320] : memref<131072xf32, #tpu.memory_space<hbm>> -> memref<1024xf32, #tpu.memory_space<hbm>>
    %dma_start3A_326 = tpu.memref_slice %arg6[%multiple_of3A_320] : memref<131072xf32, #tpu.memory_space<hbm>> -> memref<1024xf32, #tpu.memory_space<hbm>>
    %dma_start3A_327 = arith.constant 0 : i32
    %dma_start3A_328 = tpu.memref_slice %arg11[%dma_start3A_321, %dma_start3A_327] : memref<4x1024xf32, #tpu.memory_space<vmem>> -> memref<1x1024xf32, #tpu.memory_space<vmem>>
    %dma_start3A_329 = tpu.memref_squeeze %dma_start3A_328 : memref<1x1024xf32, #tpu.memory_space<vmem>> -> memref<1024xf32, #tpu.memory_space<vmem>>
    tpu.enqueue_dma source(%dma_start3A_329 : memref<1024xf32, #tpu.memory_space<vmem>>) target(%dma_start3A_326 : memref<1024xf32, #tpu.memory_space<hbm>>) target_semaphore(%arg14 : memref<!tpu.dma_semaphore, #tpu.memory_space<semaphore_mem>>)
    %dma_wait3A_330 = arith.constant 1 : i32
    %dma_wait3A_331 = arith.constant 0 : i32
    %dma_wait3A_332 = tpu.memref_slice %arg7[%dma_wait3A_330, %dma_wait3A_331] : memref<2x31744xf32, #tpu.memory_space<vmem>> -> memref<1x31744xf32, #tpu.memory_space<vmem>>
    %dma_wait3A_333 = tpu.memref_squeeze %dma_wait3A_332 : memref<1x31744xf32, #tpu.memory_space<vmem>> -> memref<31744xf32, #tpu.memory_space<vmem>>
    %dma_wait3A_334 = tpu.memref_slice %arg2[%multiple_of3A_232] : memref<4194304xf32, #tpu.memory_space<hbm>> -> memref<31744xf32, #tpu.memory_space<hbm>>
    %dma_wait3A_335 = arith.constant 0 : i32
    %dma_wait3A_336 = tpu.memref_slice %arg7[%dma_wait3A_330, %dma_wait3A_335] : memref<2x31744xf32, #tpu.memory_space<vmem>> -> memref<1x31744xf32, #tpu.memory_space<vmem>>
    %dma_wait3A_337 = tpu.memref_squeeze %dma_wait3A_336 : memref<1x31744xf32, #tpu.memory_space<vmem>> -> memref<31744xf32, #tpu.memory_space<vmem>>
    %dma_wait3A_338 = tpu.memref_slice %arg2[%multiple_of3A_232] : memref<4194304xf32, #tpu.memory_space<hbm>> -> memref<31744xf32, #tpu.memory_space<hbm>>
    tpu.wait_dma2 semaphore(%arg13 : memref<!tpu.dma_semaphore, #tpu.memory_space<semaphore_mem>>) src(%dma_wait3A_338 : memref<31744xf32, #tpu.memory_space<hbm>>) dst(%dma_wait3A_337 : memref<31744xf32, #tpu.memory_space<vmem>>)
    %broadcast_in_dim3A_339 = arith.constant 0.000000e+00 : f32
    %broadcast_in_dim3A_340 = vector.broadcast %broadcast_in_dim3A_339 : f32 to vector<16xf32>
    %parallel_loop3A_341 = arith.constant 0 : i32
    %parallel_loop3A_342 = arith.constant 248 : i32
    %parallel_loop3A_343 = arith.constant 1 : i32
    %parallel_loop3A_344:8 = scf.for %parallel_loop3A_454 = %parallel_loop3A_341 to %parallel_loop3A_342 step %parallel_loop3A_343 iter_args(%parallel_loop3A_455 = %broadcast_in_dim3A_340, %parallel_loop3A_456 = %broadcast_in_dim3A_340, %parallel_loop3A_457 = %broadcast_in_dim3A_340, %parallel_loop3A_458 = %broadcast_in_dim3A_340, %parallel_loop3A_459 = %broadcast_in_dim3A_340, %parallel_loop3A_460 = %broadcast_in_dim3A_340, %parallel_loop3A_461 = %broadcast_in_dim3A_340, %parallel_loop3A_462 = %broadcast_in_dim3A_340) -> (vector<16xf32>, vector<16xf32>, vector<16xf32>, vector<16xf32>, vector<16xf32>, vector<16xf32>, vector<16xf32>, vector<16xf32>)  : i32 {
      %parallel_loop3A_463 = arith.constant 128 : i32
      %parallel_loop3A_464 = arith.muli %parallel_loop3A_454, %parallel_loop3A_463 : i32
      %parallel_loop3A_465 = arith.constant 0 : i32
      %parallel_loop3A_466 = arith.addi %parallel_loop3A_464, %parallel_loop3A_465 : i32
      %parallel_loop3A_467 = arith.constant 1 : i32
      %parallel_loop3A_468 = arith.index_cast %parallel_loop3A_467 : i32 to index
      %parallel_loop3A_469 = arith.index_cast %parallel_loop3A_466 : i32 to index
      %parallel_loop3A_470 = tpu.vector_load %arg7[%parallel_loop3A_468, %parallel_loop3A_469] {strides = array<i32>} : memref<2x31744xf32, #tpu.memory_space<vmem>>, vector<1x16xf32>,
      %parallel_loop3A_471 = vector.shape_cast %parallel_loop3A_470 : vector<1x16xf32> to vector<16xf32>
      %parallel_loop3A_472 = arith.addf %parallel_loop3A_455, %parallel_loop3A_471 : vector<16xf32>
      %parallel_loop3A_473 = arith.constant 16 : i32
      %parallel_loop3A_474 = arith.addi %parallel_loop3A_464, %parallel_loop3A_473 : i32
      %parallel_loop3A_475 = arith.constant 1 : i32
      %parallel_loop3A_476 = arith.index_cast %parallel_loop3A_475 : i32 to index
      %parallel_loop3A_477 = arith.index_cast %parallel_loop3A_474 : i32 to index
      %parallel_loop3A_478 = tpu.vector_load %arg7[%parallel_loop3A_476, %parallel_loop3A_477] {strides = array<i32>} : memref<2x31744xf32, #tpu.memory_space<vmem>>, vector<1x16xf32>,
      %parallel_loop3A_479 = vector.shape_cast %parallel_loop3A_478 : vector<1x16xf32> to vector<16xf32>
      %parallel_loop3A_480 = arith.addf %parallel_loop3A_456, %parallel_loop3A_479 : vector<16xf32>
      %parallel_loop3A_481 = arith.constant 32 : i32
      %parallel_loop3A_482 = arith.addi %parallel_loop3A_464, %parallel_loop3A_481 : i32
      %parallel_loop3A_483 = arith.constant 1 : i32
      %parallel_loop3A_484 = arith.index_cast %parallel_loop3A_483 : i32 to index
      %parallel_loop3A_485 = arith.index_cast %parallel_loop3A_482 : i32 to index
      %parallel_loop3A_486 = tpu.vector_load %arg7[%parallel_loop3A_484, %parallel_loop3A_485] {strides = array<i32>} : memref<2x31744xf32, #tpu.memory_space<vmem>>, vector<1x16xf32>,
      %parallel_loop3A_487 = vector.shape_cast %parallel_loop3A_486 : vector<1x16xf32> to vector<16xf32>
      %parallel_loop3A_488 = arith.addf %parallel_loop3A_457, %parallel_loop3A_487 : vector<16xf32>
      %parallel_loop3A_489 = arith.constant 48 : i32
      %parallel_loop3A_490 = arith.addi %parallel_loop3A_464, %parallel_loop3A_489 : i32
      %parallel_loop3A_491 = arith.constant 1 : i32
      %parallel_loop3A_492 = arith.index_cast %parallel_loop3A_491 : i32 to index
      %parallel_loop3A_493 = arith.index_cast %parallel_loop3A_490 : i32 to index
      %parallel_loop3A_494 = tpu.vector_load %arg7[%parallel_loop3A_492, %parallel_loop3A_493] {strides = array<i32>} : memref<2x31744xf32, #tpu.memory_space<vmem>>, vector<1x16xf32>,
      %parallel_loop3A_495 = vector.shape_cast %parallel_loop3A_494 : vector<1x16xf32> to vector<16xf32>
      %parallel_loop3A_496 = arith.addf %parallel_loop3A_458, %parallel_loop3A_495 : vector<16xf32>
      %parallel_loop3A_497 = arith.constant 64 : i32
      %parallel_loop3A_498 = arith.addi %parallel_loop3A_464, %parallel_loop3A_497 : i32
      %parallel_loop3A_499 = arith.constant 1 : i32
      %parallel_loop3A_500 = arith.index_cast %parallel_loop3A_499 : i32 to index
      %parallel_loop3A_501 = arith.index_cast %parallel_loop3A_498 : i32 to index
      %parallel_loop3A_502 = tpu.vector_load %arg7[%parallel_loop3A_500, %parallel_loop3A_501] {strides = array<i32>} : memref<2x31744xf32, #tpu.memory_space<vmem>>, vector<1x16xf32>,
      %parallel_loop3A_503 = vector.shape_cast %parallel_loop3A_502 : vector<1x16xf32> to vector<16xf32>
      %parallel_loop3A_504 = arith.addf %parallel_loop3A_459, %parallel_loop3A_503 : vector<16xf32>
      %parallel_loop3A_505 = arith.constant 80 : i32
      %parallel_loop3A_506 = arith.addi %parallel_loop3A_464, %parallel_loop3A_505 : i32
      %parallel_loop3A_507 = arith.constant 1 : i32
      %parallel_loop3A_508 = arith.index_cast %parallel_loop3A_507 : i32 to index
      %parallel_loop3A_509 = arith.index_cast %parallel_loop3A_506 : i32 to index
      %parallel_loop3A_510 = tpu.vector_load %arg7[%parallel_loop3A_508, %parallel_loop3A_509] {strides = array<i32>} : memref<2x31744xf32, #tpu.memory_space<vmem>>, vector<1x16xf32>,
      %parallel_loop3A_511 = vector.shape_cast %parallel_loop3A_510 : vector<1x16xf32> to vector<16xf32>
      %parallel_loop3A_512 = arith.addf %parallel_loop3A_460, %parallel_loop3A_511 : vector<16xf32>
      %parallel_loop3A_513 = arith.constant 96 : i32
      %parallel_loop3A_514 = arith.addi %parallel_loop3A_464, %parallel_loop3A_513 : i32
      %parallel_loop3A_515 = arith.constant 1 : i32
      %parallel_loop3A_516 = arith.index_cast %parallel_loop3A_515 : i32 to index
      %parallel_loop3A_517 = arith.index_cast %parallel_loop3A_514 : i32 to index
      %parallel_loop3A_518 = tpu.vector_load %arg7[%parallel_loop3A_516, %parallel_loop3A_517] {strides = array<i32>} : memref<2x31744xf32, #tpu.memory_space<vmem>>, vector<1x16xf32>,
      %parallel_loop3A_519 = vector.shape_cast %parallel_loop3A_518 : vector<1x16xf32> to vector<16xf32>
      %parallel_loop3A_520 = arith.addf %parallel_loop3A_461, %parallel_loop3A_519 : vector<16xf32>
      %parallel_loop3A_521 = arith.constant 112 : i32
      %parallel_loop3A_522 = arith.addi %parallel_loop3A_464, %parallel_loop3A_521 : i32
      %parallel_loop3A_523 = arith.constant 1 : i32
      %parallel_loop3A_524 = arith.index_cast %parallel_loop3A_523 : i32 to index
      %parallel_loop3A_525 = arith.index_cast %parallel_loop3A_522 : i32 to index
      %parallel_loop3A_526 = tpu.vector_load %arg7[%parallel_loop3A_524, %parallel_loop3A_525] {strides = array<i32>} : memref<2x31744xf32, #tpu.memory_space<vmem>>, vector<1x16xf32>,
      %parallel_loop3A_527 = vector.shape_cast %parallel_loop3A_526 : vector<1x16xf32> to vector<16xf32>
      %parallel_loop3A_528 = arith.addf %parallel_loop3A_462, %parallel_loop3A_527 : vector<16xf32>
      scf.yield %parallel_loop3A_472, %parallel_loop3A_480, %parallel_loop3A_488, %parallel_loop3A_496, %parallel_loop3A_504, %parallel_loop3A_512, %parallel_loop3A_520, %parallel_loop3A_528 : vector<16xf32>, vector<16xf32>, vector<16xf32>, vector<16xf32>, vector<16xf32>, vector<16xf32>, vector<16xf32>, vector<16xf32>
    } {sc.loop_unroll_factor = 2 : i64, sc.parallel_access}
    %add3A_345 = arith.addf %parallel_loop3A_344#0, %parallel_loop3A_344#1 : vector<16xf32>
    %add3A_346 = arith.addf %add3A_345, %parallel_loop3A_344#2 : vector<16xf32>
    %add3A_347 = arith.addf %add3A_346, %parallel_loop3A_344#3 : vector<16xf32>
    %add3A_348 = arith.addf %add3A_347, %parallel_loop3A_344#4 : vector<16xf32>
    %add3A_349 = arith.addf %add3A_348, %parallel_loop3A_344#5 : vector<16xf32>
    %add3A_350 = arith.addf %add3A_349, %parallel_loop3A_344#6 : vector<16xf32>
    %add3A_351 = arith.addf %add3A_350, %parallel_loop3A_344#7 : vector<16xf32>
    %slice3A_352 = vector.extract_strided_slice %add3A_351 {offsets = [0], sizes = [1], strides = [1]} : vector<16xf32> to vector<1xf32>
    %squeeze3A_353 = vector.extract %slice3A_352[0] : f32 from vector<1xf32>
    %slice3A_354 = vector.extract_strided_slice %add3A_351 {offsets = [1], sizes = [1], strides = [1]} : vector<16xf32> to vector<1xf32>
    %squeeze3A_355 = vector.extract %slice3A_354[0] : f32 from vector<1xf32>
    %add3A_356 = arith.addf %squeeze3A_353, %squeeze3A_355 : f32
    %slice3A_357 = vector.extract_strided_slice %add3A_351 {offsets = [2], sizes = [1], strides = [1]} : vector<16xf32> to vector<1xf32>
    %squeeze3A_358 = vector.extract %slice3A_357[0] : f32 from vector<1xf32>
    %add3A_359 = arith.addf %add3A_356, %squeeze3A_358 : f32
    %slice3A_360 = vector.extract_strided_slice %add3A_351 {offsets = [3], sizes = [1], strides = [1]} : vector<16xf32> to vector<1xf32>
    %squeeze3A_361 = vector.extract %slice3A_360[0] : f32 from vector<1xf32>
    %add3A_362 = arith.addf %add3A_359, %squeeze3A_361 : f32
    %slice3A_363 = vector.extract_strided_slice %add3A_351 {offsets = [4], sizes = [1], strides = [1]} : vector<16xf32> to vector<1xf32>
    %squeeze3A_364 = vector.extract %slice3A_363[0] : f32 from vector<1xf32>
    %add3A_365 = arith.addf %add3A_362, %squeeze3A_364 : f32
    %slice3A_366 = vector.extract_strided_slice %add3A_351 {offsets = [5], sizes = [1], strides = [1]} : vector<16xf32> to vector<1xf32>
    %squeeze3A_367 = vector.extract %slice3A_366[0] : f32 from vector<1xf32>
    %add3A_368 = arith.addf %add3A_365, %squeeze3A_367 : f32
    %slice3A_369 = vector.extract_strided_slice %add3A_351 {offsets = [6], sizes = [1], strides = [1]} : vector<16xf32> to vector<1xf32>
    %squeeze3A_370 = vector.extract %slice3A_369[0] : f32 from vector<1xf32>
    %add3A_371 = arith.addf %add3A_368, %squeeze3A_370 : f32
    %slice3A_372 = vector.extract_strided_slice %add3A_351 {offsets = [7], sizes = [1], strides = [1]} : vector<16xf32> to vector<1xf32>
    %squeeze3A_373 = vector.extract %slice3A_372[0] : f32 from vector<1xf32>
    %add3A_374 = arith.addf %add3A_371, %squeeze3A_373 : f32
    %slice3A_375 = vector.extract_strided_slice %add3A_351 {offsets = [8], sizes = [1], strides = [1]} : vector<16xf32> to vector<1xf32>
    %squeeze3A_376 = vector.extract %slice3A_375[0] : f32 from vector<1xf32>
    %add3A_377 = arith.addf %add3A_374, %squeeze3A_376 : f32
    %slice3A_378 = vector.extract_strided_slice %add3A_351 {offsets = [9], sizes = [1], strides = [1]} : vector<16xf32> to vector<1xf32>
    %squeeze3A_379 = vector.extract %slice3A_378[0] : f32 from vector<1xf32>
    %add3A_380 = arith.addf %add3A_377, %squeeze3A_379 : f32
    %slice3A_381 = vector.extract_strided_slice %add3A_351 {offsets = [10], sizes = [1], strides = [1]} : vector<16xf32> to vector<1xf32>
    %squeeze3A_382 = vector.extract %slice3A_381[0] : f32 from vector<1xf32>
    %add3A_383 = arith.addf %add3A_380, %squeeze3A_382 : f32
    %slice3A_384 = vector.extract_strided_slice %add3A_351 {offsets = [11], sizes = [1], strides = [1]} : vector<16xf32> to vector<1xf32>
    %squeeze3A_385 = vector.extract %slice3A_384[0] : f32 from vector<1xf32>
    %add3A_386 = arith.addf %add3A_383, %squeeze3A_385 : f32
    %slice3A_387 = vector.extract_strided_slice %add3A_351 {offsets = [12], sizes = [1], strides = [1]} : vector<16xf32> to vector<1xf32>
    %squeeze3A_388 = vector.extract %slice3A_387[0] : f32 from vector<1xf32>
    %add3A_389 = arith.addf %add3A_386, %squeeze3A_388 : f32
    %slice3A_390 = vector.extract_strided_slice %add3A_351 {offsets = [13], sizes = [1], strides = [1]} : vector<16xf32> to vector<1xf32>
    %squeeze3A_391 = vector.extract %slice3A_390[0] : f32 from vector<1xf32>
    %add3A_392 = arith.addf %add3A_389, %squeeze3A_391 : f32
    %slice3A_393 = vector.extract_strided_slice %add3A_351 {offsets = [14], sizes = [1], strides = [1]} : vector<16xf32> to vector<1xf32>
    %squeeze3A_394 = vector.extract %slice3A_393[0] : f32 from vector<1xf32>
    %add3A_395 = arith.addf %add3A_392, %squeeze3A_394 : f32
    %slice3A_396 = vector.extract_strided_slice %add3A_351 {offsets = [15], sizes = [1], strides = [1]} : vector<16xf32> to vector<1xf32>
    %squeeze3A_397 = vector.extract %slice3A_396[0] : f32 from vector<1xf32>
    %add3A_398 = arith.addf %add3A_395, %squeeze3A_397 : f32
    %mul3A_399 = arith.mulf %squeeze3A_6, %add3A_398 : f32
    %add3A_400 = arith.addf %squeeze3A, %mul3A_399 : f32
    %parallel_loop3A_401 = arith.constant 0 : i32
    %parallel_loop3A_402 = arith.constant 64 : i32
    %parallel_loop3A_403 = arith.constant 1 : i32
    scf.for %parallel_loop3A_454 = %parallel_loop3A_401 to %parallel_loop3A_402 step %parallel_loop3A_403  : i32 {
      %parallel_loop3A_455 = arith.constant 16 : i32
      %parallel_loop3A_456 = arith.muli %parallel_loop3A_454, %parallel_loop3A_455 : i32
      %parallel_loop3A_457 = arith.index_cast %parallel_loop3A_456 : i32 to index
      %parallel_loop3A_458 = tpu.vector_load %arg9[%parallel_loop3A_457] {strides = array<i32>} : memref<1024xf32, #tpu.memory_space<vmem>>, vector<16xf32>,
      %parallel_loop3A_459 = vector.shape_cast %parallel_loop3A_458 : vector<16xf32> to vector<16xf32>
      %parallel_loop3A_460 = vector.broadcast %add3A_400 : f32 to vector<16xf32>
      %parallel_loop3A_461 = arith.mulf %parallel_loop3A_460, %parallel_loop3A_459 : vector<16xf32>
      %parallel_loop3A_462 = arith.index_cast %parallel_loop3A_456 : i32 to index
      %parallel_loop3A_463 = tpu.vector_load %arg10[%parallel_loop3A_462] {strides = array<i32>} : memref<1024xf32, #tpu.memory_space<vmem>>, vector<16xf32>,
      %parallel_loop3A_464 = vector.shape_cast %parallel_loop3A_463 : vector<16xf32> to vector<16xf32>
      %parallel_loop3A_465 = arith.addf %parallel_loop3A_461, %parallel_loop3A_464 : vector<16xf32>
      %parallel_loop3A_466 = arith.constant 0.000000e+00 : f32
      %parallel_loop3A_467 = vector.broadcast %parallel_loop3A_466 : f32 to vector<16xf32>
      %parallel_loop3A_468 = arith.maximumf %parallel_loop3A_465, %parallel_loop3A_467 : vector<16xf32>
      %parallel_loop3A_469 = arith.constant 3 : i32
      %parallel_loop3A_470 = arith.index_cast %parallel_loop3A_469 : i32 to index
      %parallel_loop3A_471 = arith.index_cast %parallel_loop3A_456 : i32 to index
      %parallel_loop3A_472 = tpu.vector_load %arg11[%parallel_loop3A_470, %parallel_loop3A_471] {strides = array<i32>} : memref<4x1024xf32, #tpu.memory_space<vmem>>, vector<1x16xf32>,
      %parallel_loop3A_473 = vector.shape_cast %parallel_loop3A_472 : vector<1x16xf32> to vector<16xf32>
      %parallel_loop3A_474 = vector.shape_cast %parallel_loop3A_468 : vector<16xf32> to vector<1x16xf32>
      tpu.vector_store %arg11[%parallel_loop3A_470, %parallel_loop3A_471], %parallel_loop3A_474 {strides = array<i32>} : memref<4x1024xf32, #tpu.memory_space<vmem>>, vector<1x16xf32>,
    } {sc.loop_unroll_factor = 4 : i64, sc.parallel_access}
    %add3A_404 = arith.constant 3 : i32
    %add3A_405 = arith.addi %mul3A_2, %add3A_404 : i32
    %mul3A_406 = arith.constant 1024 : i32
    %mul3A_407 = arith.muli %add3A_405, %mul3A_406 : i32
    %multiple_of3A_408 = tpu.assume_multiple %mul3A_407, 8 : i32
    %dma_start3A_409 = arith.constant 3 : i32
    %dma_start3A_410 = arith.constant 0 : i32
    %dma_start3A_411 = tpu.memref_slice %arg11[%dma_start3A_409, %dma_start3A_410] : memref<4x1024xf32, #tpu.memory_space<vmem>> -> memref<1x1024xf32, #tpu.memory_space<vmem>>
    %dma_start3A_412 = tpu.memref_squeeze %dma_start3A_411 : memref<1x1024xf32, #tpu.memory_space<vmem>> -> memref<1024xf32, #tpu.memory_space<vmem>>
    %dma_start3A_413 = tpu.memref_slice %arg6[%multiple_of3A_408] : memref<131072xf32, #tpu.memory_space<hbm>> -> memref<1024xf32, #tpu.memory_space<hbm>>
    %dma_start3A_414 = tpu.memref_slice %arg6[%multiple_of3A_408] : memref<131072xf32, #tpu.memory_space<hbm>> -> memref<1024xf32, #tpu.memory_space<hbm>>
    %dma_start3A_415 = arith.constant 0 : i32
    %dma_start3A_416 = tpu.memref_slice %arg11[%dma_start3A_409, %dma_start3A_415] : memref<4x1024xf32, #tpu.memory_space<vmem>> -> memref<1x1024xf32, #tpu.memory_space<vmem>>
    %dma_start3A_417 = tpu.memref_squeeze %dma_start3A_416 : memref<1x1024xf32, #tpu.memory_space<vmem>> -> memref<1024xf32, #tpu.memory_space<vmem>>
    tpu.enqueue_dma source(%dma_start3A_417 : memref<1024xf32, #tpu.memory_space<vmem>>) target(%dma_start3A_414 : memref<1024xf32, #tpu.memory_space<hbm>>) target_semaphore(%arg14 : memref<!tpu.dma_semaphore, #tpu.memory_space<semaphore_mem>>)
    %dma_wait3A_418 = arith.constant 0 : i32
    %dma_wait3A_419 = arith.constant 0 : i32
    %dma_wait3A_420 = tpu.memref_slice %arg11[%dma_wait3A_418, %dma_wait3A_419] : memref<4x1024xf32, #tpu.memory_space<vmem>> -> memref<1x1024xf32, #tpu.memory_space<vmem>>
    %dma_wait3A_421 = tpu.memref_squeeze %dma_wait3A_420 : memref<1x1024xf32, #tpu.memory_space<vmem>> -> memref<1024xf32, #tpu.memory_space<vmem>>
    %dma_wait3A_422 = tpu.memref_slice %arg6[%multiple_of3A_112] : memref<131072xf32, #tpu.memory_space<hbm>> -> memref<1024xf32, #tpu.memory_space<hbm>>
    %dma_wait3A_423 = tpu.memref_slice %arg6[%multiple_of3A_112] : memref<131072xf32, #tpu.memory_space<hbm>> -> memref<1024xf32, #tpu.memory_space<hbm>>
    %dma_wait3A_424 = arith.constant 0 : i32
    %dma_wait3A_425 = tpu.memref_slice %arg11[%dma_wait3A_418, %dma_wait3A_424] : memref<4x1024xf32, #tpu.memory_space<vmem>> -> memref<1x1024xf32, #tpu.memory_space<vmem>>
    %dma_wait3A_426 = tpu.memref_squeeze %dma_wait3A_425 : memref<1x1024xf32, #tpu.memory_space<vmem>> -> memref<1024xf32, #tpu.memory_space<vmem>>
    tpu.wait_dma2 semaphore(%arg14 : memref<!tpu.dma_semaphore, #tpu.memory_space<semaphore_mem>>) src(%dma_wait3A_426 : memref<1024xf32, #tpu.memory_space<vmem>>) dst(%dma_wait3A_423 : memref<1024xf32, #tpu.memory_space<hbm>>)
    %dma_wait3A_427 = arith.constant 1 : i32
    %dma_wait3A_428 = arith.constant 0 : i32
    %dma_wait3A_429 = tpu.memref_slice %arg11[%dma_wait3A_427, %dma_wait3A_428] : memref<4x1024xf32, #tpu.memory_space<vmem>> -> memref<1x1024xf32, #tpu.memory_space<vmem>>
    %dma_wait3A_430 = tpu.memref_squeeze %dma_wait3A_429 : memref<1x1024xf32, #tpu.memory_space<vmem>> -> memref<1024xf32, #tpu.memory_space<vmem>>
    %dma_wait3A_431 = tpu.memref_slice %arg6[%multiple_of3A_216] : memref<131072xf32, #tpu.memory_space<hbm>> -> memref<1024xf32, #tpu.memory_space<hbm>>
    %dma_wait3A_432 = tpu.memref_slice %arg6[%multiple_of3A_216] : memref<131072xf32, #tpu.memory_space<hbm>> -> memref<1024xf32, #tpu.memory_space<hbm>>
    %dma_wait3A_433 = arith.constant 0 : i32
    %dma_wait3A_434 = tpu.memref_slice %arg11[%dma_wait3A_427, %dma_wait3A_433] : memref<4x1024xf32, #tpu.memory_space<vmem>> -> memref<1x1024xf32, #tpu.memory_space<vmem>>
    %dma_wait3A_435 = tpu.memref_squeeze %dma_wait3A_434 : memref<1x1024xf32, #tpu.memory_space<vmem>> -> memref<1024xf32, #tpu.memory_space<vmem>>
    tpu.wait_dma2 semaphore(%arg14 : memref<!tpu.dma_semaphore, #tpu.memory_space<semaphore_mem>>) src(%dma_wait3A_435 : memref<1024xf32, #tpu.memory_space<vmem>>) dst(%dma_wait3A_432 : memref<1024xf32, #tpu.memory_space<hbm>>)
    %dma_wait3A_436 = arith.constant 2 : i32
    %dma_wait3A_437 = arith.constant 0 : i32
    %dma_wait3A_438 = tpu.memref_slice %arg11[%dma_wait3A_436, %dma_wait3A_437] : memref<4x1024xf32, #tpu.memory_space<vmem>> -> memref<1x1024xf32, #tpu.memory_space<vmem>>
    %dma_wait3A_439 = tpu.memref_squeeze %dma_wait3A_438 : memref<1x1024xf32, #tpu.memory_space<vmem>> -> memref<1024xf32, #tpu.memory_space<vmem>>
    %dma_wait3A_440 = tpu.memref_slice %arg6[%multiple_of3A_320] : memref<131072xf32, #tpu.memory_space<hbm>> -> memref<1024xf32, #tpu.memory_space<hbm>>
    %dma_wait3A_441 = tpu.memref_slice %arg6[%multiple_of3A_320] : memref<131072xf32, #tpu.memory_space<hbm>> -> memref<1024xf32, #tpu.memory_space<hbm>>
    %dma_wait3A_442 = arith.constant 0 : i32
    %dma_wait3A_443 = tpu.memref_slice %arg11[%dma_wait3A_436, %dma_wait3A_442] : memref<4x1024xf32, #tpu.memory_space<vmem>> -> memref<1x1024xf32, #tpu.memory_space<vmem>>
    %dma_wait3A_444 = tpu.memref_squeeze %dma_wait3A_443 : memref<1x1024xf32, #tpu.memory_space<vmem>> -> memref<1024xf32, #tpu.memory_space<vmem>>
    tpu.wait_dma2 semaphore(%arg14 : memref<!tpu.dma_semaphore, #tpu.memory_space<semaphore_mem>>) src(%dma_wait3A_444 : memref<1024xf32, #tpu.memory_space<vmem>>) dst(%dma_wait3A_441 : memref<1024xf32, #tpu.memory_space<hbm>>)
    %dma_wait3A_445 = arith.constant 3 : i32
    %dma_wait3A_446 = arith.constant 0 : i32
    %dma_wait3A_447 = tpu.memref_slice %arg11[%dma_wait3A_445, %dma_wait3A_446] : memref<4x1024xf32, #tpu.memory_space<vmem>> -> memref<1x1024xf32, #tpu.memory_space<vmem>>
    %dma_wait3A_448 = tpu.memref_squeeze %dma_wait3A_447 : memref<1x1024xf32, #tpu.memory_space<vmem>> -> memref<1024xf32, #tpu.memory_space<vmem>>
    %dma_wait3A_449 = tpu.memref_slice %arg6[%multiple_of3A_408] : memref<131072xf32, #tpu.memory_space<hbm>> -> memref<1024xf32, #tpu.memory_space<hbm>>
    %dma_wait3A_450 = tpu.memref_slice %arg6[%multiple_of3A_408] : memref<131072xf32, #tpu.memory_space<hbm>> -> memref<1024xf32, #tpu.memory_space<hbm>>
    %dma_wait3A_451 = arith.constant 0 : i32
    %dma_wait3A_452 = tpu.memref_slice %arg11[%dma_wait3A_445, %dma_wait3A_451] : memref<4x1024xf32, #tpu.memory_space<vmem>> -> memref<1x1024xf32, #tpu.memory_space<vmem>>
    %dma_wait3A_453 = tpu.memref_squeeze %dma_wait3A_452 : memref<1x1024xf32, #tpu.memory_space<vmem>> -> memref<1024xf32, #tpu.memory_space<vmem>>
    tpu.wait_dma2 semaphore(%arg14 : memref<!tpu.dma_semaphore, #tpu.memory_space<semaphore_mem>>) src(%dma_wait3A_453 : memref<1024xf32, #tpu.memory_space<vmem>>) dst(%dma_wait3A_450 : memref<1024xf32, #tpu.memory_space<hbm>>)
    return
  }
}

</mosaic_0001>

<sc_bundles>
// kernel: kernel.3.cloned.1.call-start
scs
__scs_entry_jumppad:
0x0: {  	(pc) =	sbr.rel $0x88, $3  }
0x1: {  	(tag) =	ssettag $0x0;
	lr =	simm.s32 $0x1  }
0x2: {  	[smem:$0x3F9C] =	sst lr;
	_ =	strace $0xD0000000  }
0x3: {  	_ = 	snop  }
0x4: {  	_ = 	snop  }
0x5: {  	_ = 	snop  }
0x6: {  	_ = 	snop  }
0x7: {  	_ = 	snop  }
__scs_overlays_trampoline_lowered:
0x8: {  	[smem:$0x3FAB] =	sst s0  }
0x9: {  	[smem:$0x3FAC] =	sst s1  }
0xa: {  	[smem:$0x3FAD] =	sst s2  }
0xb: {  	[smem:$0x3FAE] =	sst s3  }
0xc: {  	[smem:$0x3FAF] =	sst s4  }
0xd: {  	[smem:$0x3FB0] =	sst s5  }
0xe: {  	[smem:$0x3FB1] =	sst s6  }
0xf: {  	[smem:$0x3FB2] =	sst s7  }
0x10: {  	[smem:$0x3FB3] =	sst s8  }
0x11: {  	[smem:$0x3FB4] =	sst s9;
	s0 =	simm.s32 @!p0 $0x0  }
0x12: {  	s1 =	sld [smem:$0x3F9A];
	s0 =	simm.s32 @p0 $0x1  }
0x13: {  	[smem:$0x3FB5] =	sst s0;
	s0 =	simm.s32 @!p1 $0x0  }
0x14: {  	s2 =	sld [smem:$0x3F99];
	s0 =	simm.s32 @p1 $0x1  }
0x15: {  	[smem:$0x3FB6] =	sst s0;
	s0 =	simm.s32 @!p2 $0x0  }
0x16: {  	s3 =	sld [smem:$0x3FDB];
	s0 =	simm.s32 @p2 $0x1  }
0x17: {  	s4 =	simm.s32 $0x1BF5;
	[smem:$0x3FB8] =	sst s0  }
0x18: {  	s0 =	sld [smem:$0x3F9B];
	_ =	swait.ge [sflag:s4], $0x0  }
0x19: {  	s7 =	sld [smem:$0x3F9C]  }
0x1a: {  	s8 =	sadd.s32 $0xFFFFE003, lr  }
0x1b: {  	s9 =	sadd.s32 $0xFFFFFEF7, lr;
	s5 =	simm.s32 $0xFFFFFFFF;
	p2 =	slt.u32 s8, $0xFFFFF086  }
0x1c: {  	p1 =	slt.u32 s9, $0xF7A;
	s5 =	simm.s32 @!p2 $0x0  }
0x1d: {  	s5 =	simm.s32 @p1 $0x1;
	p0 =	seq.s32 s7, s2  }
0x1e: {  	s7 =	smul.u32 @!p0 $0xF7A, s2;
	p2 =	seq.s32 @!p0 s5, $0x0  }
0x1f: {  	s9 =	smul.u32 $0xF7A, s1;
	s8 =	simm.s32 @!p0 $0x1BF5;
	p2 =	por !p2, p0  }
0x20: {  	[sflag:s8] =	ssyncset.s32 @!p0 $0xFFFFF086;
	s6 =	sadd.s32 @!p0 s3, s7;
	s7 =	simm.s32 @!p0 $0x108  }
0x21: {  	s3 =	sadd.s32 s3, s9;
	s6 =	sadd.s32 @!p0 $0x88, s6;
	s7 =	simm.s32 @p2 $0x1082  }
0x22: {  	[simem:s7], [sflag:s8] =	dma.local @!p0 [hbm:s6], $0xF7A  }
0x23: {  	s9 =	sor.u32 $0xD0000000, s2;
	s6 =	simm.s32 $0x108;
	_ =	swait.ge @!p0 [sflag:s8], $0x0  }
0x24: {  	s3 =	sadd.s32 $0x88, s3;
	s6 =	simm.s32 @!p1 $0x1082;
	[sflag:s4] =	ssyncset.s32 $0xFFFFF086  }
0x25: {  	[simem:s6], [sflag:s4] =	dma.local [hbm:s3], $0xF7A  }
0x26: {  	[smem:$0x3F9C] =	sst s1;
	(tag) =	ssettag s2;
	_ =	strace s9  }
0x27: {  	s1 =	sld [smem:$0x3FAC]  }
0x28: {  	s2 =	sld [smem:$0x3FAD]  }
0x29: {  	s4 =	sld [smem:$0x3FAF]  }
0x2a: {  	p0 =	seq.s32 s5, $0x0;
	s5 =	sld [smem:$0x3FB0]  }
0x2b: {  	s6 =	sld [smem:$0x3FB1]  }
0x2c: {  	s7 =	sld [smem:$0x3FB2]  }
0x2d: {  	s3 =	simm.s32 $0x108;
	s8 =	sld [smem:$0x3FB3]  }
0x2e: {  	s3 =	simm.s32 @!p0 $0x1082;
	s9 =	sld [smem:$0x3FB4]  }
0x2f: {  	lr =	sadd.s32 s0, s3;
	s0 =	sld [smem:$0x3FAB]  }
0x30: {  	s3 =	sld [smem:$0x3FAE]  }
0x31: {  	[smem:$0x3FB7] =	sst s10  }
0x32: {  	s10 =	sld [smem:$0x3FB5];
	_ =	sdelay $0x3  }
0x33: {  	p0 =	seq.s32 s10, $0x1;
	s10 =	sld [smem:$0x3FB7];
	_ =	sdelay $0x3  }
0x34: {  	[smem:$0x3FB7] =	sst s10  }
0x35: {  	s10 =	sld [smem:$0x3FB6];
	_ =	sdelay $0x3  }
0x36: {  	p1 =	seq.s32 s10, $0x1;
	s10 =	sld [smem:$0x3FB7];
	_ =	sdelay $0x3  }
0x37: {  	[smem:$0x3FB7] =	sst s10  }
0x38: {  	s10 =	sld [smem:$0x3FB8]  }
0x39: {  	_ = 	snop;
	(pc) =	sbr.ind lr, $3  }
0x3a: {  	_ = 	snop  }
0x3b: {  	_ = 	snop  }
0x3c: {  	p2 =	seq.s32 s10, $0x1;
	s10 =	sld [smem:$0x3FB7]  }
0x3d: {  	_ =	shalt  }
0x3e: {  	_ =	shalt  }
0x3f: {  	_ =	shalt  }
0x40: {  	_ =	shalt  }
0x41: {  	_ =	shalt  }
0x42: {  	_ =	shalt  }
0x43: {  	_ =	shalt  }
0x44: {  	_ =	shalt  }
0x45: {  	_ =	shalt  }
0x46: {  	_ =	shalt  }
0x47: {  	_ =	shalt  }
0x48: {  	_ =	shalt  }
0x49: {  	_ =	shalt  }
0x4a: {  	_ =	shalt  }
0x4b: {  	_ =	shalt  }
0x4c: {  	_ =	shalt  }
0x4d: {  	_ =	shalt  }
0x4e: {  	_ =	shalt  }
0x4f: {  	_ =	shalt  }
0x50: {  	_ =	shalt  }
0x51: {  	_ =	shalt  }
0x52: {  	_ =	shalt  }
0x53: {  	_ =	shalt  }
0x54: {  	_ =	shalt  }
0x55: {  	_ =	shalt  }
0x56: {  	_ =	shalt  }
0x57: {  	_ =	shalt  }
0x58: {  	_ =	shalt  }
0x59: {  	_ =	shalt  }
0x5a: {  	_ =	shalt  }
0x5b: {  	_ =	shalt  }
0x5c: {  	_ =	shalt  }
0x5d: {  	_ =	shalt  }
0x5e: {  	_ =	shalt  }
0x5f: {  	_ =	shalt  }
0x60: {  	_ =	shalt  }
0x61: {  	_ =	shalt  }
0x62: {  	_ =	shalt  }
0x63: {  	_ =	shalt  }
0x64: {  	_ =	shalt  }
0x65: {  	_ =	shalt  }
0x66: {  	_ =	shalt  }
0x67: {  	_ =	shalt  }
0x68: {  	_ =	shalt  }
0x69: {  	_ =	shalt  }
0x6a: {  	_ =	shalt  }
0x6b: {  	_ =	shalt  }
0x6c: {  	_ =	shalt  }
0x6d: {  	_ =	shalt  }
0x6e: {  	_ =	shalt  }
0x6f: {  	_ =	shalt  }
0x70: {  	_ =	shalt  }
0x71: {  	_ =	shalt  }
0x72: {  	_ =	shalt  }
0x73: {  	_ =	shalt  }
0x74: {  	_ =	shalt  }
0x75: {  	_ =	shalt  }
0x76: {  	_ =	shalt  }
0x77: {  	_ =	shalt  }
0x78: {  	_ =	shalt  }
0x79: {  	_ =	shalt  }
0x7a: {  	_ =	shalt  }
0x7b: {  	_ =	shalt  }
0x7c: {  	_ =	shalt  }
0x7d: {  	_ =	shalt  }
0x7e: {  	_ =	shalt  }
0x7f: {  	_ =	shalt  }
0x80: {  	_ =	shalt  }
0x81: {  	_ =	shalt  }
0x82: {  	_ =	shalt  }
0x83: {  	_ =	shalt  }
0x84: {  	_ =	shalt  }
0x85: {  	_ =	shalt  }
0x86: {  	_ =	shalt  }
0x87: {  	_ =	shalt  }
.Lfunc_end0:
.L_simem_size_0:
called_computation_lowered:
.L_overlay_start_0:
0x88: {  	s2 =	sld [smem:$0x3FD9]  }
0x89: {  	s3 =	sld [smem:$0x3FFE];
	_ =	sdelay $0x1  }
0x8a: {  	s1 =	srdreg.scid  }
0x8b: {  	s0 =	sand.u32 $0x1, s1  }
0x8c: {  	s17 =	sshll.u32 s0, $0xA;
	s2 =	sadd.s32 s3, s2  }
0x8d: {  	s2 =	sadd.s32 s2, s17  }
0x8e: {  	[smem:$0x3FC3] =	sst s2  }
0x8f: {  	_ = 	snop  }
0x90: {  	s2 =	sld [smem:$0x3FC6]  }
0x91: {  	s18 =	sld [smem:$0x3FC5]  }
0x92: {  	s4 =	sld [smem:$0x3FD0];
	(tm) =	ssettm $0x1  }
0x93: {  	s5 =	sld [smem:$0x3FFB];
	_ =	sdelay $0x3  }
0x94: {  	_ =	strace s5  }
0x95: {  	s5 =	sld [smem:$0x3FFC];
	_ =	sdelay $0x3  }
0x96: {  	_ =	strace s5  }
0x97: {  	s5 =	sld [smem:$0x3FFD];
	_ =	sdelay $0x3  }
0x98: {  	_ =	strace s5  }
0x99: {  	_ =	strace $0x8FFFFFFF  }
0x9a: {  	s19 =	sld [smem:$0x3FDB];
	_ =	sdelay $0x1  }
0x9b: {  	s6 =	simm.s32 $_scs_section_size  }
0x9c: {  	s7 =	simm.s32 $_size__tile_overlayer_lowered;
	s8 =	simm.s32 $_tile_overlayer_lowered  }
0x9d: {  	s22 =	simm.s32 $0x1BFF;
	s21 =	sshll.u32 s8, $0x1;
	s5 =	sadd.s32 s6, s19  }
0x9e: {  	s9 =	simm.s32 $0x0;
	s20 =	sshll.u32 s7, $0x1;
	s7 =	sadd.s32 s21, s5  }
0x9f: {  	[timem:s9], [sflag:s22] =	dma.local [hbm:s7], s20  }
0xa0: {  	_ =	swait.ge [sflag:s22], s20  }
0xa1: {  	s6 =	ssub.s32 $0x0, s20;
	[sflag:s22] =	ssyncset.done $0x0  }
0xa2: {  	[sflag:s22] =	ssyncadd.s32 s6;
	_ =	sdelay $0x1  }
0xa3: {  	s23 =	simm.s32 $0x1B8B  }
0xa4: {  	_ =	swait.ge [sflag:s23], $0x1  }
0xa5: {  	[sflag:s23] =	ssyncset.done $0x0  }
0xa6: {  	s25 =	simm.s32 $0x1B8E;
	s24 =	sld [smem:$0x3FFE];
	[sflag:s23] =	ssyncadd.s32 $0xFFFFFFFF  }
0xa7: {  	s26 =	simm.s32 $execute0_lowered;
	[smem:$0x3FD2] =	sst s25  }
0xa8: {  	s7 =	sshll.u32 s26, $0x1;
	_ =	strace $0x80000046;
	[dreg:$0x1] =	wrdreg $0xFFFFFFFF  }
0xa9: {  	s28 =	simm.s32 $_size_execute0_lowered;
	s5 =	sadd.s32 s5, s7;
	[dreg:$0x0] =	wrdreg $0x0  }
0xaa: {  	s7 =	sshll.u32 s28, $0x1;
	[dreg:$0x2] =	wrdreg s5  }
0xab: {  	[dreg:$0x3] =	wrdreg s7  }
0xac: {  	[dreg:$0x4] =	wrdreg $0xC0  }
0xad: {  	_ =	task [dreg:s9], $0x5FFFF  }
0xae: {  	[dreg:$0x1] =	wrdreg $0xFFFFFFFF  }
0xaf: {  	[dreg:$0x0] =	wrdreg $0x60  }
0xb0: {  	[dreg:$0x2] =	wrdreg s24  }
0xb1: {  	[dreg:$0x3] =	wrdreg s4  }
0xb2: {  	[dreg:$0x4] =	wrdreg s2  }
0xb3: {  	[dreg:$0x5] =	wrdreg s18  }
0xb4: {  	[dreg:$0x6] =	wrdreg $0x9  }
0xb5: {  	_ =	task.clear_ibuf [dreg:s9], $0x7FFFF;
	_ =	strace $0x90000046  }
0xb6: {  	s29 =	simm.s32 $0x9;
	_ =	strace $0x80000048  }
0xb7: {  	_ =	swait.ge [sflag:s29], $0x1  }
0xb8: {  	[sflag:s29] =	ssyncadd.s32 $0xFFFFFFFF  }
0xb9: {  	_ =	strace $0x90000048  }
0xba: {  	_ =	sfence  }
0xbb: {  	s30 =	sld [smem:$0x0];
	_ =	sdelay $0x2  }
0xbc: {  	s31 =	sshll.u32 s1, $0xD;
	s1 =	sshrl.u32 s1, $0x2  }
0xbd: {  	s3 =	sand.u32 $0x4000, s31;
	s1 =	sadd.s32 s1, s30  }
0xbe: {  	s0 =	sor.u32 s3, s0;
	s1 =	sshll.u32 s1, $0x11  }
0xbf: {  	s0 =	sor.u32 s1, s0  }
0xc0: {  	s0 =	sadd.s32 $0x8F2B, s0  }
0xc1: {  	[sflag:s0] =	ssyncadd.remote.s32 $0x1  }
0xc2: {  	_ =	sfence.sel $0xFFFF  }
0xc3: {  	[dreg:$0x0] =	wrdreg $0xFFFFFFFF;
	(pc) =	sbr.abs _section_cstart, $3  }
0xc4: {  	[dreg:$0x1] =	wrdreg $0xFFFFFFFF  }
0xc5: {  	_ =	task.clear_ibuf [dreg:s9], $0x2FFFF;
	_ =	strace $0x9FFFFFFF  }
0xc6: {  	(tm) =	ssettm $0x7FFFFFFF  }
0xc7: {  	_ =	shalt  }
tec
execute0_lowered:
.L_overlay_start_1:
0x0: {  	(tag) =	ssettag $0x1  }
0x1: {  	s0 =	rddreg [dreg:$0x0];
	s5 =	simm.s32 $0x0  }
0x2: {  	s1 =	srdreg.scid;
	s3 =	stileid.u32;
	s19 =	simm.s32 $0x1  }
0x3: {  	[smem:$0x7FF] =	sst s5;
	s1 =	sand.u32 $0x1, s1;
	s3 =	sshll.u32 s3, $0x1  }
0x4: {  	s4 =	sadd.s32 $0x80C00, s0;
	s0 =	sadd.s32 $0xC80, s0;
	s2 =	ssub.s32 $0x2, s1  }
0x5: {  	_ =	strace $0x80000047;
	s1 =	sor.u32 s1, s3;
	s6 =	sshrl.u32 s2, $0x1  }
0x6: {  	s3 =	sshll.u32 s1, $0x2;
	s7 =	sshll.u32 s1, $0xE;
	s8 =	sshll.u32 s1, $0x9  }
0x7: {  	s1 =	sshllo.u32 s1, $0x2;
	s2 =	ssub.s32 s2, s6;
	s6 =	sadd.s32 s7, s0  }
0x8: {  	s10 =	sor.u32 $0x1, s3;
	s3 =	sor.u32 $0x2, s3;
	s8 =	sadd.s32 s4, s8  }
0x9: {  	s11 =	sshll.u32 s1, $0xC;
	s30 =	sshll.u32 s1, $0x7;
	s29 =	sshll.u32 s10, $0xC  }
0xa: {  	s9 =	sshll.u32 s3, $0xC;
	s10 =	sshll.u32 s10, $0x7;
	s3 =	sshll.u32 s3, $0x7  }
0xb: {  	s11 =	sadd.s32 s11, s0;
	s13 =	sadd.s32 s4, s30;
	s31 =	smax.u32 s2, $0x1  }
0xc: {  	s2 =	simm.s32 $0x0;
	s7 =	sadd.s32 s29, s0;
	s9 =	sadd.s32 s9, s0  }
0xd: {  	s10 =	sadd.s32 s4, s10;
	s12 =	sadd.s32 s4, s3;
	[dreg:$0x5] =	wrdreg s31  }
.LBB2_1:
0xe: {  	[dreg:$0x6] =	wrdreg s2  }
0xf: {  	s0 =	rddreg [dreg:$0x1];
	s1 =	simm.s32 $0xF800;
	s26 =	simm.s32 $0x4  }
0x10: {  	[tilespmem:s1], [sflag:$0x4] =	stream.linear.gather [hbm4b:s0+s5], $0x80, $0x38;
	[tilespmem:$0x11080] =	vst v63  }
0x11: {  	_ =	swait.ge [sflag:s26], $0x80  }
0x12: {  	[sflag:s26] =	ssyncset.done $0x0  }
0x13: {  	[sflag:s26] =	ssyncadd.s32 $0xFFFFFF80  }
0x14: {  	s29 =	simm.s32 $0xF880;
	s28 =	rddreg [dreg:$0x2]  }
0x15: {  	[tilespmem:s29], [sflag:$0x4] =	stream.linear.gather [hbm4b:s28+s5], $0x400, $0x38;
	[tilespmem:$0x11080] =	vst v63  }
0x16: {  	_ =	swait.ge [sflag:s26], $0x400  }
0x17: {  	[sflag:s26] =	ssyncset.done $0x0  }
0x18: {  	[sflag:s26] =	ssyncadd.s32 $0xFFFFFC00  }
0x19: {  	s31 =	simm.s32 $0xFC80;
	s30 =	rddreg [dreg:$0x3]  }
0x1a: {  	[tilespmem:s31], [sflag:$0x4] =	stream.linear.gather [hbm4b:s30+s5], $0x400, $0x38;
	[tilespmem:$0x11080] =	vst v63  }
0x1b: {  	_ =	swait.ge [sflag:s26], $0x400  }
0x1c: {  	[sflag:s26] =	ssyncset.done $0x0  }
0x1d: {  	s4 =	sadd.s32 $0x0, s6;
	[sflag:s26] =	ssyncadd.s32 $0xFFFFFC00  }
0x1e: {  	s2 =	simm.s32 $0x0;
	s0 =	simm.s32 $0x10;
	s1 =	simm.s32 $0x100;
	v0 =	vld [tilespmem:$0xF800]  }
.LBB2_2:
0x1f: {  	[tilespmem:s2], [sflag:$0x1] =	stream.linear.gather [hbm4b:s4+s5], $0x80, $0x38;
	[tilespmem:$0x11080] =	vst v63  }
0x20: {  	s4 =	smov.u32 s0;
	s2 =	smov.u32 s1;
	p0 =	sne.s32 s0, $0xF70  }
.Ltmp0:
0x21: {  	s0 =	sadd.s32 $0x10, s0;
	(pc) =	sbr.rel @p0 .LBB2_2-.Ltmp0, $2  }
0x22: {  	_ =	sdelay $0x2  }
0x23: {  	s1 =	sadd.s32 $0x100, s1;
	s4 =	sadd.s32 s4, s6  }
0x24: {  	[tilespmem:s2], [sflag:$0x1] =	stream.linear.gather [hbm4b:s4+s5], $0x80, $0x38;
	[tilespmem:$0x11080] =	vst v63  }
0x25: {  	s0 =	simm.s32 $0x80  }
0x26: {  	s1 =	simm.s32 $0x10;
	s4 =	sadd.s32 $0x0, s7;
	s2 =	simm.s32 $0x180  }
.LBB2_4:
0x27: {  	[tilespmem:s0], [sflag:$0x2] =	stream.linear.gather [hbm4b:s4+s5], $0x80, $0x38;
	[tilespmem:$0x11080] =	vst v63  }
0x28: {  	s4 =	smov.u32 s1;
	s0 =	smov.u32 s2;
	p0 =	sne.s32 s1, $0xF70  }
.Ltmp1:
0x29: {  	s1 =	sadd.s32 $0x10, s1;
	(pc) =	sbr.rel @p0 .LBB2_4-.Ltmp1, $2  }
0x2a: {  	_ =	sdelay $0x2  }
0x2b: {  	s2 =	sadd.s32 $0x100, s2;
	s4 =	sadd.s32 s4, s7  }
0x2c: {  	[tilespmem:s0], [sflag:$0x2] =	stream.linear.gather [hbm4b:s4+s5], $0x80, $0x38;
	[tilespmem:$0x11080] =	vst v63  }
0x2d: {  	_ =	swait.ge [sflag:s19], $0x7C00  }
0x2e: {  	[sflag:s19] =	ssyncset.done $0x0  }
0x2f: {  	s2 =	simm.s32 $0x0;
	[sflag:s19] =	ssyncadd.s32 $0xFFFF8400  }
0x30: {  	v1 =	vld [tilespmem:s2+$0x70]  }
0x31: {  	v2 =	vld [tilespmem:s2+$0x0]  }
0x32: {  	v4 =	vld [tilespmem:s2+$0x10]  }
0x33: {  	v13 =	vld [tilespmem:s2+$0x20]  }
0x34: {  	v12 =	vld [tilespmem:s2+$0x30]  }
0x35: {  	v3 =	vimm.f32 $0.0e+00;
	v9 =	vimm.f32 $0.0e+00;
	v5 =	vld [tilespmem:s2+$0x40]  }
0x36: {  	v10 =	vimm.f32 $0.0e+00;
	v6 =	vld [tilespmem:s2+$0x50];
	v1 =	vadd.f32 v1, v3;
	v8 =	vadd.f32 v2, v3  }
0x37: {  	s0 =	simm.s32 $0x100;
	s1 =	simm.s32 $0x800;
	v7 =	vld [tilespmem:s2+$0x60];
	v11 =	vadd.f32 v4, v3;
	v4 =	vimm.f32 $0.0e+00;
	v2 =	vimm.f32 $0.0e+00  }
.LBB2_6:
0x38: {  	p0 =	sne.s32 s1, $0x3DC00;
	v14 =	vld [tilespmem:s0+$0x70];
	v3 =	vadd.f32 v13, v3  }
0x39: {  	v15 =	vld [tilespmem:s0+$0x0];
	v9 =	vadd.f32 v12, v9  }
0x3a: {  	v16 =	vld [tilespmem:s0+$0x10];
	v10 =	vadd.f32 v5, v10  }
.Ltmp2:
0x3b: {  	v13 =	vld [tilespmem:s0+$0x20];
	v4 =	vadd.f32 v6, v4;
	(pc) =	sbr.rel @p0 .LBB2_6-.Ltmp2, $4  }
0x3c: {  	v12 =	vld [tilespmem:s0+$0x30];
	v2 =	vadd.f32 v7, v2  }
0x3d: {  	v5 =	vld [tilespmem:s0+$0x40];
	v1 =	vadd.f32 v14, v1  }
0x3e: {  	v8 =	vadd.f32 v15, v8;
	v6 =	vld [tilespmem:s0+$0x50]  }
0x3f: {  	v11 =	vadd.f32 v16, v11;
	v7 =	vld [tilespmem:s0+$0x60];
	s0 =	sshra.s32 s1, $0x2;
	s1 =	sadd.s32 $0x400, s1  }
0x40: {  	v14 =	vld [tilespmem:s0+$0x0]  }
0x41: {  	v15 =	vld [tilespmem:s0+$0x10];
	_ =	sdelay $0x1  }
0x42: {  	v16 =	vld [tilespmem:s0+$0x20];
	_ =	sdelay $0x1  }
0x43: {  	v3 =	vadd.f32 v13, v3;
	v60 =	vld [tilespmem:s0+$0x30]  }
0x44: {  	v8 =	vadd.f32 v14, v8;
	v11 =	vadd.f32 v15, v11  }
0x45: {  	v61 =	vld [tilespmem:s0+$0x40];
	v9 =	vadd.f32 v12, v9  }
0x46: {  	v3 =	vadd.f32 v16, v3;
	v8 =	vadd.f32 v11, v8  }
0x47: {  	v5 =	vadd.f32 v5, v10;
	v10 =	vld [tilespmem:s0+$0x50]  }
0x48: {  	v9 =	vadd.f32 v60, v9;
	v3 =	vadd.f32 v3, v8  }
0x49: {  	v4 =	vadd.f32 v6, v4;
	v6 =	vld [tilespmem:s0+$0x60]  }
0x4a: {  	v5 =	vadd.f32 v61, v5;
	v3 =	vadd.f32 v9, v3  }
0x4b: {  	v2 =	vadd.f32 v7, v2;
	v8 =	vld [tilespmem:s0+$0x70]  }
0x4c: {  	v4 =	vadd.f32 v10, v4;
	v3 =	vadd.f32 v5, v3;
	_ =	sdelay $0x1  }
0x4d: {  	v2 =	vadd.f32 v6, v2;
	v3 =	vadd.f32 v4, v3;
	_ =	sdelay $0x1  }
0x4e: {  	v1 =	vadd.f32 v8, v1;
	v2 =	vadd.f32 v2, v3;
	_ =	sdelay $0x1  }
0x4f: {  	(v2sf) =	vpush v0, $0x0;
	v1 =	vadd.f32 v1, v2  }
0x50: {  	(v2sf) =	vpush v0, $0x1  }
0x51: {  	(v2sf) =	vpush v1, $0x0  }
0x52: {  	(v2sf) =	vpush v1, $0x1;
	_ =	sdelay $0x1  }
0x53: {  	(v2sf) =	vpush v1, $0x2;
	_ =	sdelay $0x1  }
0x54: {  	(v2sf) =	vpush v1, $0x3;
	_ =	sdelay $0x1  }
0x55: {  	(v2sf) =	vpush v1, $0x4;
	_ =	sdelay $0x1  }
0x56: {  	(v2sf) =	vpush v1, $0x5;
	_ =	sdelay $0x1  }
0x57: {  	(v2sf) =	vpush v1, $0x6;
	_ =	sdelay $0x1  }
0x58: {  	s18 =	spop (v2sf);
	(v2sf) =	vpush v1, $0x7  }
0x59: {  	s15 =	spop (v2sf)  }
0x5a: {  	(v2sf) =	vpush v1, $0x8;
	s22 =	spop (v2sf)  }
0x5b: {  	s1 =	spop (v2sf)  }
0x5c: {  	(v2sf) =	vpush v1, $0x9;
	s0 =	sadd.f32 s1, s22  }
0x5d: {  	s23 =	spop (v2sf)  }
0x5e: {  	(v2sf) =	vpush v1, $0xA;
	s0 =	sadd.f32 s0, s23  }
0x5f: {  	s24 =	spop (v2sf)  }
0x60: {  	(v2sf) =	vpush v1, $0xB;
	s0 =	sadd.f32 s0, s24  }
0x61: {  	s25 =	spop (v2sf)  }
0x62: {  	(v2sf) =	vpush v1, $0xC;
	s0 =	sadd.f32 s0, s25  }
0x63: {  	s26 =	spop (v2sf)  }
0x64: {  	(v2sf) =	vpush v1, $0xD;
	s0 =	sadd.f32 s0, s26  }
0x65: {  	s29 =	spop (v2sf)  }
0x66: {  	(v2sf) =	vpush v1, $0xE;
	s0 =	sadd.f32 s0, s29  }
0x67: {  	s2 =	spop (v2sf)  }
0x68: {  	(v2sf) =	vpush v1, $0xF;
	s0 =	sadd.f32 s0, s2  }
0x69: {  	s3 =	spop (v2sf)  }
0x6a: {  	s0 =	sadd.f32 s0, s3  }
0x6b: {  	s4 =	spop (v2sf)  }
0x6c: {  	s0 =	sadd.f32 s0, s4  }
0x6d: {  	s14 =	spop (v2sf)  }
0x6e: {  	s0 =	sadd.f32 s0, s14  }
0x6f: {  	s16 =	spop (v2sf)  }
0x70: {  	s2 =	simm.s32 $0x0;
	s0 =	sadd.f32 s0, s16  }
0x71: {  	s1 =	sand.u32 $0x40, s2;
	s17 =	spop (v2sf)  }
0x72: {  	s20 =	sand.u32 $0x380, s2;
	s21 =	sor.u32 $0x30, s1;
	s0 =	sadd.f32 s0, s17  }
0x73: {  	s19 =	simm.s32 $0x40;
	s22 =	sor.u32 s20, s21;
	s4 =	spop (v2sf)  }
0x74: {  	s28 =	sand.u32 $0x40, s19;
	v1 =	vld [tilespmem:s22+$0xF880];
	s0 =	sadd.f32 s0, s4  }
0x75: {  	v3 =	vld [tilespmem:s22+$0xFC80];
	s22 =	sand.u32 $0x380, s19;
	s19 =	sor.u32 $0x10, s28;
	s23 =	spop (v2sf)  }
0x76: {  	s29 =	sor.u32 $0x20, s28;
	s26 =	sor.u32 s22, s19;
	s0 =	sadd.f32 s0, s23  }
0x77: {  	s3 =	sor.u32 s22, s29;
	v8 =	vld [tilespmem:s26+$0xF880];
	s25 =	spop (v2sf);
	s4 =	sor.u32 $0x10, s1  }
0x78: {  	v10 =	vld [tilespmem:s3+$0xF880];
	s24 =	sor.u32 s20, s4;
	s0 =	sadd.f32 s0, s25  }
0x79: {  	s23 =	sor.u32 $0x20, s1;
	v2 =	vld [tilespmem:s24+$0xF880]  }
0x7a: {  	v5 =	vld [tilespmem:s24+$0xFC80];
	s20 =	sor.u32 s20, s23;
	s0 =	smul.f32 s0, s15  }
0x7b: {  	s14 =	sor.u32 $0x30, s28;
	v4 =	vld [tilespmem:s20+$0xF880]  }
0x7c: {  	v6 =	vld [tilespmem:s20+$0xFC80];
	s25 =	sor.u32 s22, s14;
	s0 =	sadd.f32 s0, s18  }
0x7d: {  	v7 =	vld [tilespmem:s25+$0xF880]  }
0x7e: {  	v62 =	vld [tilespmem:s26+$0xFC80];
	v0 =	vmov s0  }
0x7f: {  	s2 =	sand.u32 $0xE00, s2;
	s16 =	simm.s32 $0x0;
	s17 =	simm.s32 $0x80;
	v9 =	vld [tilespmem:s25+$0xFC80];
	v1 =	vmul.f32 v1, v0  }
0x80: {  	s2 =	sor.u32 $0x10080, s2;
	v11 =	vld [tilespmem:s16+$0xF880];
	s20 =	sand.u32 $0x40, s17;
	v2 =	vmul.f32 v2, v0;
	v4 =	vmul.f32 v4, v0  }
0x81: {  	s26 =	sor.u32 s21, s2;
	v63 =	vld [tilespmem:s3+$0xFC80];
	s31 =	sand.u32 $0x380, s17;
	s22 =	sor.u32 $0x30, s20;
	v1 =	vadd.f32 v3, v1  }
0x82: {  	s4 =	sor.u32 s4, s2;
	s24 =	simm.s32 $0x100;
	s3 =	sor.u32 s31, s22;
	v2 =	vadd.f32 v5, v2;
	v3 =	vadd.f32 v6, v4;
	v4 =	vmul.f32 v7, v0;
	v6 =	vld [tilespmem:s16+$0xFC80]  }
0x83: {  	s25 =	sor.u32 s1, s2;
	s21 =	sor.u32 $0x10, s20;
	s2 =	sor.u32 s23, s2;
	v7 =	vmul.f32 v8, v0;
	v5 =	vmax.f32 v1, $0.0e+00;
	v1 =	vld [tilespmem:s3+$0xF880]  }
0x84: {  	s23 =	sor.u32 $0x20, s20;
	s30 =	sor.u32 s31, s21;
	s16 =	sand.u32 $0xE00, s24;
	v8 =	vmax.f32 v3, $0.0e+00;
	v4 =	vadd.f32 v9, v4;
	v3 =	vld [tilespmem:s3+$0xFC80];
	[tilespmem:s26+$0x0] =	vst v5;
	v5 =	vmax.f32 v2, $0.0e+00  }
0x85: {  	s0 =	simm.s32 $0xC0;
	s17 =	sor.u32 $0x10080, s16;
	v9 =	vmul.f32 v11, v0;
	v2 =	vld [tilespmem:s30+$0xF880];
	[tilespmem:s4+$0x0] =	vst v5;
	v5 =	vmul.f32 v10, v0;
	s4 =	sor.u32 s31, s23;
	v10 =	vadd.f32 v62, v7  }
0x86: {  	s14 =	sor.u32 s14, s17;
	s28 =	sor.u32 s28, s17;
	[tilespmem:s2+$0x0] =	vst v8;
	s31 =	simm.s32 $0x40;
	v7 =	vmax.f32 v4, $0.0e+00;
	v4 =	vld [tilespmem:s4+$0xF880]  }
0x87: {  	s1 =	sor.u32 s29, s17;
	s26 =	simm.s32 $0x8;
	s2 =	sor.u32 s19, s17;
	[tilespmem:s14+$0x0] =	vst v7;
	v6 =	vadd.f32 v6, v9;
	v7 =	vadd.f32 v63, v5;
	v5 =	vld [tilespmem:s31+$0xF880];
	v8 =	vmax.f32 v10, $0.0e+00  }
.LBB2_8:
0x88: {  	s14 =	sand.u32 $0x40, s0;
	s26 =	sadd.s32 $0x4, s26  }
0x89: {  	v9 =	vld [tilespmem:s30+$0xFC80];
	v1 =	vmul.f32 v1, v0;
	[tilespmem:s2+$0x0] =	vst v8;
	v7 =	vmax.f32 v7, $0.0e+00;
	s24 =	sadd.s32 $0x100, s24;
	s19 =	smov.u32 s28;
	s2 =	sand.u32 $0x380, s0  }
0x8a: {  	s29 =	sor.u32 $0x30, s14;
	p0 =	slt.u32 s26, $0x3C;
	v8 =	vmul.f32 v2, v0;
	v10 =	vld [tilespmem:s4+$0xFC80];
	[tilespmem:s1+$0x0] =	vst v7;
	v2 =	vmax.f32 v6, $0.0e+00;
	s16 =	sor.u32 $0x10, s14  }
0x8b: {  	s4 =	sand.u32 $0xE00, s24;
	s1 =	sor.u32 s2, s29;
	v3 =	vadd.f32 v3, v1;
	v6 =	vld [tilespmem:s31+$0xFC80];
	[tilespmem:s25+$0x0] =	vst v2;
	s30 =	sor.u32 s2, s16  }
.Ltmp3:
0x8c: {  	s25 =	sor.u32 $0x20, s14;
	s3 =	sor.u32 $0x10080, s4;
	v1 =	vld [tilespmem:s1+$0xF880];
	v7 =	vmul.f32 v4, v0;
	(pc) =	sbr.rel @p0 .LBB2_8-.Ltmp3, $4  }
0x8d: {  	s31 =	sshra.s32 s24, $0x2;
	s4 =	sor.u32 s2, s25;
	s22 =	sor.u32 s22, s3;
	v2 =	vld [tilespmem:s30+$0xF880];
	v4 =	vmax.f32 v3, $0.0e+00;
	v11 =	vmul.f32 v5, v0  }
0x8e: {  	s28 =	sor.u32 s20, s3;
	s2 =	sor.u32 s21, s3;
	v3 =	vld [tilespmem:s1+$0xFC80];
	v8 =	vadd.f32 v9, v8;
	s1 =	sor.u32 s23, s3;
	[tilespmem:s22+$0x0] =	vst v4  }
0x8f: {  	s20 =	smov.u32 s14;
	s21 =	smov.u32 s16;
	s22 =	smov.u32 s29;
	v4 =	vld [tilespmem:s4+$0xF880];
	v7 =	vadd.f32 v10, v7  }
0x90: {  	s0 =	sadd.s32 $0x40, s0;
	s23 =	smov.u32 s25;
	s25 =	smov.u32 s19;
	v5 =	vld [tilespmem:s31+$0xF880];
	v8 =	vmax.f32 v8, $0.0e+00;
	v6 =	vadd.f32 v6, v11  }
0x91: {  	v9 =	vld [tilespmem:s30+$0xFC80];
	s0 =	sadd.s32 $0x100, s24  }
0x92: {  	v10 =	vld [tilespmem:s4+$0xFC80];
	s3 =	sshra.s32 s0, $0x2  }
0x93: {  	v11 =	vld [tilespmem:s3+$0xF880]  }
0x94: {  	v1 =	vmul.f32 v1, v0;
	v12 =	vld [tilespmem:s31+$0xFC80]  }
0x95: {  	v2 =	vmul.f32 v2, v0;
	v13 =	vld [tilespmem:s3+$0xFC80]  }
0x96: {  	[tilespmem:s2+$0x0] =	vst v8;
	v56 =	vmax.f32 v7, $0.0e+00;
	s0 =	sand.u32 $0xE00, s0;
	v1 =	vadd.f32 v3, v1;
	v4 =	vmul.f32 v4, v0  }
0x97: {  	[tilespmem:s1+$0x0] =	vst v56;
	v57 =	vmax.f32 v6, $0.0e+00;
	s0 =	sor.u32 $0x10080, s0;
	v5 =	vmul.f32 v5, v0;
	v2 =	vadd.f32 v9, v2  }
0x98: {  	[tilespmem:s25+$0x0] =	vst v57;
	s2 =	sor.u32 s22, s0;
	v1 =	vmax.f32 v1, $0.0e+00;
	v58 =	vadd.f32 v10, v4;
	v59 =	vmul.f32 v11, v0  }
0x99: {  	s3 =	sor.u32 s21, s0;
	[tilespmem:s2+$0x0] =	vst v1;
	v61 =	vadd.f32 v12, v5;
	v60 =	vmax.f32 v2, $0.0e+00  }
0x9a: {  	s4 =	sor.u32 s23, s0;
	v62 =	vmax.f32 v58, $0.0e+00;
	[tilespmem:s3+$0x0] =	vst v60;
	v0 =	vadd.f32 v13, v59  }
0x9b: {  	[tilespmem:s4+$0x0] =	vst v62;
	v63 =	vmax.f32 v61, $0.0e+00  }
0x9c: {  	s0 =	sor.u32 s20, s0;
	[tilespmem:s28+$0x0] =	vst v63;
	v0 =	vmax.f32 v0, $0.0e+00  }
0x9d: {  	s14 =	simm.s32 $0x10080;
	[tilespmem:s0+$0x0] =	vst v0;
	s0 =	simm.s32 $0x0  }
0x9e: {  	[hbm4b:s8+s0] =	stream.linear.scatter [tilespmem:s14], [sflag:$0x3], $0x80, $0x38;
	[tilespmem:$0x11080] =	vst v63  }
0x9f: {  	s16 =	sadd.s32 $0x10, s8;
	s17 =	simm.s32 $0x10280  }
0xa0: {  	[hbm4b:s16+s0] =	stream.linear.scatter [tilespmem:s17], [sflag:$0x3], $0x80, $0x38;
	[tilespmem:$0x11080] =	vst v63  }
0xa1: {  	s19 =	sadd.s32 $0x20, s8;
	s20 =	simm.s32 $0x10480  }
0xa2: {  	[hbm4b:s19+s0] =	stream.linear.scatter [tilespmem:s20], [sflag:$0x3], $0x80, $0x38;
	[tilespmem:$0x11080] =	vst v63  }
0xa3: {  	s21 =	sadd.s32 $0x30, s8;
	s22 =	simm.s32 $0x10680  }
0xa4: {  	[hbm4b:s21+s0] =	stream.linear.scatter [tilespmem:s22], [sflag:$0x3], $0x80, $0x38;
	[tilespmem:$0x11080] =	vst v63  }
0xa5: {  	s24 =	simm.s32 $0x10880;
	s23 =	sadd.s32 $0x40, s8  }
0xa6: {  	[hbm4b:s23+s0] =	stream.linear.scatter [tilespmem:s24], [sflag:$0x3], $0x80, $0x38;
	[tilespmem:$0x11080] =	vst v63  }
0xa7: {  	s26 =	simm.s32 $0x10A80;
	s29 =	simm.s32 $0x10C80;
	s25 =	sadd.s32 $0x50, s8  }
0xa8: {  	[hbm4b:s25+s0] =	stream.linear.scatter [tilespmem:s26], [sflag:$0x3], $0x80, $0x38;
	[tilespmem:$0x11080] =	vst v63  }
0xa9: {  	s30 =	sadd.s32 $0x70, s8;
	s31 =	simm.s32 $0x10E80;
	s28 =	sadd.s32 $0x60, s8  }
0xaa: {  	[hbm4b:s28+s0] =	stream.linear.scatter [tilespmem:s29], [sflag:$0x3], $0x80, $0x38;
	[tilespmem:$0x11080] =	vst v63  }
0xab: {  	s1 =	simm.s32 $0x10;
	s2 =	simm.s32 $0x100;
	s4 =	sadd.s32 $0x0, s9  }
0xac: {  	[hbm4b:s30+s0] =	stream.linear.scatter [tilespmem:s31], [sflag:$0x3], $0x80, $0x38;
	[tilespmem:$0x11080] =	vst v63  }
.LBB2_10:
0xad: {  	[tilespmem:s0], [sflag:$0x1] =	stream.linear.gather [hbm4b:s4+s5], $0x80, $0x38;
	[tilespmem:$0x11080] =	vst v63  }
0xae: {  	s3 =	smov.u32 s1;
	s0 =	smov.u32 s2;
	p0 =	sne.s32 s1, $0xF70  }
.Ltmp4:
0xaf: {  	s1 =	sadd.s32 $0x10, s1;
	(pc) =	sbr.rel @p0 .LBB2_10-.Ltmp4, $2  }
0xb0: {  	_ =	sdelay $0x2  }
0xb1: {  	s2 =	sadd.s32 $0x100, s2;
	s4 =	sadd.s32 s3, s9  }
0xb2: {  	[tilespmem:s0], [sflag:$0x1] =	stream.linear.gather [hbm4b:s4+s5], $0x80, $0x38;
	[tilespmem:$0x11080] =	vst v63  }
0xb3: {  	s31 =	simm.s32 $0x2  }
0xb4: {  	_ =	swait.ge [sflag:s31], $0x7C00  }
0xb5: {  	[sflag:s31] =	ssyncset.done $0x0  }
0xb6: {  	s2 =	simm.s32 $0x0;
	[sflag:s31] =	ssyncadd.s32 $0xFFFF8400  }
0xb7: {  	v0 =	vld [tilespmem:s2+$0xF0]  }
0xb8: {  	v1 =	vld [tilespmem:s2+$0x80]  }
0xb9: {  	v3 =	vld [tilespmem:s2+$0x90]  }
0xba: {  	v12 =	vld [tilespmem:s2+$0xA0]  }
0xbb: {  	v11 =	vld [tilespmem:s2+$0xB0]  }
0xbc: {  	v2 =	vimm.f32 $0.0e+00;
	v8 =	vimm.f32 $0.0e+00;
	v4 =	vld [tilespmem:s2+$0xC0]  }
0xbd: {  	v9 =	vimm.f32 $0.0e+00;
	v5 =	vld [tilespmem:s2+$0xD0];
	v0 =	vadd.f32 v0, v2;
	v7 =	vadd.f32 v1, v2  }
0xbe: {  	s0 =	simm.s32 $0x100;
	s1 =	simm.s32 $0x800;
	v6 =	vld [tilespmem:s2+$0xE0];
	v10 =	vadd.f32 v3, v2;
	v3 =	vimm.f32 $0.0e+00;
	v1 =	vimm.f32 $0.0e+00  }
.LBB2_12:
0xbf: {  	p0 =	sne.s32 s1, $0x3DC00;
	v13 =	vld [tilespmem:s0+$0xF0];
	v2 =	vadd.f32 v12, v2  }
0xc0: {  	v14 =	vld [tilespmem:s0+$0x80];
	v8 =	vadd.f32 v11, v8  }
0xc1: {  	v15 =	vld [tilespmem:s0+$0x90];
	v9 =	vadd.f32 v4, v9  }
.Ltmp5:
0xc2: {  	v12 =	vld [tilespmem:s0+$0xA0];
	v3 =	vadd.f32 v5, v3;
	(pc) =	sbr.rel @p0 .LBB2_12-.Ltmp5, $4  }
0xc3: {  	v11 =	vld [tilespmem:s0+$0xB0];
	v1 =	vadd.f32 v6, v1  }
0xc4: {  	v4 =	vld [tilespmem:s0+$0xC0];
	v0 =	vadd.f32 v13, v0  }
0xc5: {  	v7 =	vadd.f32 v14, v7;
	v5 =	vld [tilespmem:s0+$0xD0]  }
0xc6: {  	v10 =	vadd.f32 v15, v10;
	v6 =	vld [tilespmem:s0+$0xE0];
	s0 =	sshra.s32 s1, $0x2;
	s1 =	sadd.s32 $0x400, s1  }
0xc7: {  	v13 =	vld [tilespmem:s0+$0x80]  }
0xc8: {  	v14 =	vld [tilespmem:s0+$0x90];
	_ =	sdelay $0x1  }
0xc9: {  	v15 =	vld [tilespmem:s0+$0xA0];
	_ =	sdelay $0x1  }
0xca: {  	v2 =	vadd.f32 v12, v2;
	v61 =	vld [tilespmem:s0+$0xB0]  }
0xcb: {  	v7 =	vadd.f32 v13, v7;
	v10 =	vadd.f32 v14, v10  }
0xcc: {  	v8 =	vadd.f32 v11, v8;
	v11 =	vld [tilespmem:s0+$0xC0]  }
0xcd: {  	v2 =	vadd.f32 v15, v2;
	v7 =	vadd.f32 v10, v7  }
0xce: {  	v4 =	vadd.f32 v4, v9;
	v9 =	vld [tilespmem:s0+$0xD0]  }
0xcf: {  	v8 =	vadd.f32 v61, v8;
	v2 =	vadd.f32 v2, v7  }
0xd0: {  	v3 =	vadd.f32 v5, v3;
	v5 =	vld [tilespmem:s0+$0xE0]  }
0xd1: {  	v4 =	vadd.f32 v11, v4;
	v2 =	vadd.f32 v8, v2  }
0xd2: {  	v1 =	vadd.f32 v6, v1;
	v7 =	vld [tilespmem:s0+$0xF0]  }
0xd3: {  	v3 =	vadd.f32 v9, v3;
	v2 =	vadd.f32 v4, v2;
	_ =	sdelay $0x1  }
0xd4: {  	v1 =	vadd.f32 v5, v1;
	v2 =	vadd.f32 v3, v2;
	_ =	sdelay $0x1  }
0xd5: {  	v0 =	vadd.f32 v7, v0;
	v1 =	vadd.f32 v1, v2;
	_ =	sdelay $0x1  }
0xd6: {  	v0 =	vadd.f32 v0, v1;
	_ =	sdelay $0x1  }
0xd7: {  	(v2sf) =	vpush v0, $0x0  }
0xd8: {  	(v2sf) =	vpush v0, $0x1;
	_ =	sdelay $0x1  }
0xd9: {  	(v2sf) =	vpush v0, $0x2;
	_ =	sdelay $0x1  }
0xda: {  	(v2sf) =	vpush v0, $0x3;
	_ =	sdelay $0x1  }
0xdb: {  	(v2sf) =	vpush v0, $0x4;
	_ =	sdelay $0x1  }
0xdc: {  	(v2sf) =	vpush v0, $0x5;
	_ =	sdelay $0x1  }
0xdd: {  	(v2sf) =	vpush v0, $0x6;
	_ =	sdelay $0x1  }
0xde: {  	(v2sf) =	vpush v0, $0x7;
	_ =	sdelay $0x1  }
0xdf: {  	s2 =	spop (v2sf);
	(v2sf) =	vpush v0, $0x8  }
0xe0: {  	s1 =	spop (v2sf)  }
0xe1: {  	(v2sf) =	vpush v0, $0x9;
	s0 =	sadd.f32 s1, s2  }
0xe2: {  	s3 =	spop (v2sf)  }
0xe3: {  	(v2sf) =	vpush v0, $0xA;
	s0 =	sadd.f32 s0, s3  }
0xe4: {  	s4 =	spop (v2sf)  }
0xe5: {  	(v2sf) =	vpush v0, $0xB;
	s0 =	sadd.f32 s0, s4  }
0xe6: {  	s14 =	spop (v2sf)  }
0xe7: {  	(v2sf) =	vpush v0, $0xC;
	s0 =	sadd.f32 s0, s14  }
0xe8: {  	s16 =	spop (v2sf)  }
0xe9: {  	(v2sf) =	vpush v0, $0xD;
	s0 =	sadd.f32 s0, s16  }
0xea: {  	s17 =	spop (v2sf)  }
0xeb: {  	(v2sf) =	vpush v0, $0xE;
	s0 =	sadd.f32 s0, s17  }
0xec: {  	s19 =	spop (v2sf)  }
0xed: {  	(v2sf) =	vpush v0, $0xF;
	s0 =	sadd.f32 s0, s19  }
0xee: {  	s20 =	spop (v2sf)  }
0xef: {  	s0 =	sadd.f32 s0, s20  }
0xf0: {  	s21 =	spop (v2sf)  }
0xf1: {  	s0 =	sadd.f32 s0, s21  }
0xf2: {  	s22 =	spop (v2sf)  }
0xf3: {  	s0 =	sadd.f32 s0, s22  }
0xf4: {  	s23 =	spop (v2sf)  }
0xf5: {  	s0 =	sadd.f32 s0, s23  }
0xf6: {  	s2 =	simm.s32 $0x0;
	s24 =	spop (v2sf)  }
0xf7: {  	s25 =	sand.u32 $0x40, s2;
	s0 =	sadd.f32 s0, s24  }
0xf8: {  	s4 =	sand.u32 $0x380, s2;
	s14 =	sor.u32 $0x30, s25;
	s3 =	spop (v2sf)  }
0xf9: {  	s16 =	sor.u32 s4, s14;
	s0 =	sadd.f32 s0, s3  }
0xfa: {  	v1 =	vld [tilespmem:s16+$0xF880];
	s19 =	spop (v2sf);
	s3 =	sor.u32 $0x10, s25  }
0xfb: {  	v3 =	vld [tilespmem:s16+$0xFC80];
	s20 =	sor.u32 s4, s3;
	s0 =	sadd.f32 s0, s19  }
0xfc: {  	s17 =	simm.s32 $0x40;
	s21 =	spop (v2sf);
	s19 =	sor.u32 $0x20, s25;
	v2 =	vld [tilespmem:s20+$0xF880]  }
0xfd: {  	s28 =	sand.u32 $0x40, s17;
	v5 =	vld [tilespmem:s20+$0xFC80];
	s4 =	sor.u32 s4, s19;
	s0 =	sadd.f32 s0, s21  }
0xfe: {  	s16 =	sand.u32 $0x380, s17;
	s29 =	sor.u32 $0x30, s28;
	v4 =	vld [tilespmem:s4+$0xF880];
	[dreg:$0x7] =	wrdreg s15  }
0xff: {  	s17 =	sor.u32 $0x10, s28;
	s22 =	sor.u32 s16, s29;
	v6 =	vld [tilespmem:s4+$0xFC80];
	s0 =	smul.f32 s0, s15  }
0x100: {  	s23 =	sor.u32 s16, s17;
	v7 =	vld [tilespmem:s22+$0xF880]  }
0x101: {  	v8 =	vld [tilespmem:s23+$0xF880];
	s0 =	sadd.f32 s0, s18  }
0x102: {  	s24 =	simm.s32 $0x0;
	v9 =	vld [tilespmem:s22+$0xFC80]  }
0x103: {  	v11 =	vld [tilespmem:s24+$0xF880];
	s15 =	smov.u32 s18;
	s18 =	sor.u32 $0x20, s28;
	v0 =	vmov s0  }
0x104: {  	s26 =	simm.s32 $0x80;
	v62 =	vld [tilespmem:s23+$0xFC80];
	s16 =	sor.u32 s16, s18;
	v1 =	vmul.f32 v1, v0  }
0x105: {  	s31 =	simm.s32 $0x40;
	s2 =	sand.u32 $0xE00, s2;
	s20 =	sand.u32 $0x40, s26;
	v10 =	vld [tilespmem:s16+$0xF880];
	v2 =	vmul.f32 v2, v0;
	v4 =	vmul.f32 v4, v0  }
0x106: {  	s2 =	sor.u32 $0x10080, s2;
	s4 =	sand.u32 $0x380, s26;
	s22 =	sor.u32 $0x30, s20;
	v63 =	vld [tilespmem:s16+$0xFC80];
	v1 =	vadd.f32 v3, v1  }
0x107: {  	s14 =	sor.u32 s14, s2;
	s3 =	sor.u32 s3, s2;
	s1 =	sor.u32 s4, s22;
	v2 =	vadd.f32 v5, v2;
	v3 =	vadd.f32 v6, v4;
	v4 =	vmul.f32 v7, v0;
	v6 =	vld [tilespmem:s24+$0xFC80]  }
0x108: {  	s25 =	sor.u32 s25, s2;
	s21 =	sor.u32 $0x10, s20;
	s24 =	simm.s32 $0x100;
	v7 =	vmul.f32 v8, v0;
	v5 =	vmax.f32 v1, $0.0e+00;
	v1 =	vld [tilespmem:s1+$0xF880]  }
0x109: {  	s23 =	sor.u32 $0x20, s20;
	s30 =	sor.u32 s4, s21;
	s16 =	sand.u32 $0xE00, s24;
	v8 =	vmax.f32 v3, $0.0e+00;
	v4 =	vadd.f32 v9, v4;
	v3 =	vld [tilespmem:s1+$0xFC80];
	[tilespmem:s14+$0x80] =	vst v5;
	v5 =	vmax.f32 v2, $0.0e+00  }
0x10a: {  	s2 =	sor.u32 s19, s2;
	s4 =	sor.u32 s4, s23;
	s19 =	sor.u32 $0x10080, s16;
	v9 =	vmul.f32 v11, v0;
	v2 =	vld [tilespmem:s30+$0xF880];
	[tilespmem:s3+$0x80] =	vst v5;
	v5 =	vmul.f32 v10, v0;
	v10 =	vadd.f32 v62, v7  }
0x10b: {  	s26 =	simm.s32 $0x8;
	s0 =	simm.s32 $0xC0;
	[tilespmem:s2+$0x80] =	vst v8;
	v7 =	vmax.f32 v4, $0.0e+00;
	s3 =	sor.u32 s29, s19;
	v4 =	vld [tilespmem:s4+$0xF880]  }
0x10c: {  	s28 =	sor.u32 s28, s19;
	s2 =	sor.u32 s17, s19;
	s1 =	sor.u32 s18, s19;
	[tilespmem:s3+$0x80] =	vst v7;
	v6 =	vadd.f32 v6, v9;
	v7 =	vadd.f32 v63, v5;
	v5 =	vld [tilespmem:s31+$0xF880];
	v8 =	vmax.f32 v10, $0.0e+00  }
.LBB2_14:
0x10d: {  	s3 =	sand.u32 $0x40, s0;
	s26 =	sadd.s32 $0x4, s26  }
0x10e: {  	v9 =	vld [tilespmem:s30+$0xFC80];
	v1 =	vmul.f32 v1, v0;
	[tilespmem:s2+$0x80] =	vst v8;
	v7 =	vmax.f32 v7, $0.0e+00;
	s24 =	sadd.s32 $0x100, s24;
	s14 =	smov.u32 s28;
	s2 =	sand.u32 $0x380, s0  }
0x10f: {  	s16 =	sor.u32 $0x30, s3;
	p0 =	slt.u32 s26, $0x3C;
	v8 =	vmul.f32 v2, v0;
	v10 =	vld [tilespmem:s4+$0xFC80];
	[tilespmem:s1+$0x80] =	vst v7;
	v2 =	vmax.f32 v6, $0.0e+00;
	s17 =	sor.u32 $0x10, s3  }
0x110: {  	s4 =	sand.u32 $0xE00, s24;
	s18 =	sor.u32 $0x20, s3;
	s1 =	sor.u32 s2, s16;
	v3 =	vadd.f32 v3, v1;
	v6 =	vld [tilespmem:s31+$0xFC80];
	[tilespmem:s25+$0x80] =	vst v2  }
.Ltmp6:
0x111: {  	s30 =	sor.u32 s2, s17;
	s19 =	sor.u32 $0x10080, s4;
	v1 =	vld [tilespmem:s1+$0xF880];
	v7 =	vmul.f32 v4, v0;
	(pc) =	sbr.rel @p0 .LBB2_14-.Ltmp6, $4  }
0x112: {  	s4 =	sor.u32 s2, s18;
	s31 =	sshra.s32 s24, $0x2;
	s22 =	sor.u32 s22, s19;
	v2 =	vld [tilespmem:s30+$0xF880];
	v4 =	vmax.f32 v3, $0.0e+00;
	v11 =	vmul.f32 v5, v0  }
0x113: {  	s28 =	sor.u32 s20, s19;
	s2 =	sor.u32 s21, s19;
	v3 =	vld [tilespmem:s1+$0xFC80];
	v8 =	vadd.f32 v9, v8;
	s1 =	sor.u32 s23, s19;
	[tilespmem:s22+$0x80] =	vst v4  }
0x114: {  	s20 =	smov.u32 s3;
	s21 =	smov.u32 s17;
	s22 =	smov.u32 s16;
	v4 =	vld [tilespmem:s4+$0xF880];
	v7 =	vadd.f32 v10, v7  }
0x115: {  	s0 =	sadd.s32 $0x40, s0;
	s25 =	smov.u32 s14;
	s23 =	smov.u32 s18;
	v5 =	vld [tilespmem:s31+$0xF880];
	v8 =	vmax.f32 v8, $0.0e+00;
	v6 =	vadd.f32 v6, v11  }
0x116: {  	v9 =	vld [tilespmem:s30+$0xFC80];
	s0 =	sadd.s32 $0x100, s24  }
0x117: {  	v10 =	vld [tilespmem:s4+$0xFC80];
	s3 =	sshra.s32 s0, $0x2  }
0x118: {  	v11 =	vld [tilespmem:s3+$0xF880]  }
0x119: {  	v1 =	vmul.f32 v1, v0;
	v12 =	vld [tilespmem:s31+$0xFC80]  }
0x11a: {  	v2 =	vmul.f32 v2, v0;
	v13 =	vld [tilespmem:s3+$0xFC80]  }
0x11b: {  	[tilespmem:s2+$0x80] =	vst v8;
	v56 =	vmax.f32 v7, $0.0e+00;
	s0 =	sand.u32 $0xE00, s0;
	v1 =	vadd.f32 v3, v1;
	v4 =	vmul.f32 v4, v0  }
0x11c: {  	[tilespmem:s1+$0x80] =	vst v56;
	v57 =	vmax.f32 v6, $0.0e+00;
	s0 =	sor.u32 $0x10080, s0;
	v5 =	vmul.f32 v5, v0;
	v2 =	vadd.f32 v9, v2  }
0x11d: {  	[tilespmem:s25+$0x80] =	vst v57;
	s2 =	sor.u32 s22, s0;
	v1 =	vmax.f32 v1, $0.0e+00;
	v58 =	vadd.f32 v10, v4;
	v59 =	vmul.f32 v11, v0  }
0x11e: {  	s3 =	sor.u32 s21, s0;
	[tilespmem:s2+$0x80] =	vst v1;
	v61 =	vadd.f32 v12, v5;
	v60 =	vmax.f32 v2, $0.0e+00  }
0x11f: {  	s4 =	sor.u32 s23, s0;
	v62 =	vmax.f32 v58, $0.0e+00;
	[tilespmem:s3+$0x80] =	vst v60;
	v0 =	vadd.f32 v13, v59  }
0x120: {  	[tilespmem:s4+$0x80] =	vst v62;
	v63 =	vmax.f32 v61, $0.0e+00  }
0x121: {  	s0 =	sor.u32 s20, s0;
	[tilespmem:s28+$0x80] =	vst v63;
	v0 =	vmax.f32 v0, $0.0e+00  }
0x122: {  	s14 =	simm.s32 $0x0;
	s16 =	simm.s32 $0x10100;
	[tilespmem:s0+$0x80] =	vst v0  }
0x123: {  	[hbm4b:s10+s14] =	stream.linear.scatter [tilespmem:s16], [sflag:$0x3], $0x80, $0x38;
	[tilespmem:$0x11080] =	vst v63  }
0x124: {  	s17 =	sadd.s32 $0x10, s10;
	s18 =	simm.s32 $0x10300  }
0x125: {  	[hbm4b:s17+s14] =	stream.linear.scatter [tilespmem:s18], [sflag:$0x3], $0x80, $0x38;
	[tilespmem:$0x11080] =	vst v63  }
0x126: {  	s19 =	sadd.s32 $0x20, s10;
	s20 =	simm.s32 $0x10500  }
0x127: {  	[hbm4b:s19+s14] =	stream.linear.scatter [tilespmem:s20], [sflag:$0x3], $0x80, $0x38;
	[tilespmem:$0x11080] =	vst v63  }
0x128: {  	s21 =	sadd.s32 $0x30, s10;
	s22 =	simm.s32 $0x10700  }
0x129: {  	[hbm4b:s21+s14] =	stream.linear.scatter [tilespmem:s22], [sflag:$0x3], $0x80, $0x38;
	[tilespmem:$0x11080] =	vst v63  }
0x12a: {  	s24 =	simm.s32 $0x10900;
	s26 =	simm.s32 $0x10B00;
	s23 =	sadd.s32 $0x40, s10  }
0x12b: {  	[hbm4b:s23+s14] =	stream.linear.scatter [tilespmem:s24], [sflag:$0x3], $0x80, $0x38;
	[tilespmem:$0x11080] =	vst v63  }
0x12c: {  	s29 =	simm.s32 $0x10D00;
	s30 =	sadd.s32 $0x70, s10;
	s25 =	sadd.s32 $0x50, s10  }
0x12d: {  	[hbm4b:s25+s14] =	stream.linear.scatter [tilespmem:s26], [sflag:$0x3], $0x80, $0x38;
	[tilespmem:$0x11080] =	vst v63  }
0x12e: {  	s31 =	simm.s32 $0x10F00;
	s1 =	simm.s32 $0x10;
	s28 =	sadd.s32 $0x60, s10  }
0x12f: {  	[hbm4b:s28+s14] =	stream.linear.scatter [tilespmem:s29], [sflag:$0x3], $0x80, $0x38;
	[tilespmem:$0x11080] =	vst v63  }
0x130: {  	s2 =	simm.s32 $0x180;
	s4 =	sadd.s32 $0x0, s11;
	s0 =	simm.s32 $0x80  }
0x131: {  	[hbm4b:s30+s14] =	stream.linear.scatter [tilespmem:s31], [sflag:$0x3], $0x80, $0x38;
	[tilespmem:$0x11080] =	vst v63  }
.LBB2_16:
0x132: {  	[tilespmem:s0], [sflag:$0x2] =	stream.linear.gather [hbm4b:s4+s5], $0x80, $0x38;
	[tilespmem:$0x11080] =	vst v63  }
0x133: {  	s3 =	smov.u32 s1;
	s0 =	smov.u32 s2;
	p0 =	sne.s32 s1, $0xF70  }
.Ltmp7:
0x134: {  	s1 =	sadd.s32 $0x10, s1;
	(pc) =	sbr.rel @p0 .LBB2_16-.Ltmp7, $2  }
0x135: {  	_ =	sdelay $0x2  }
0x136: {  	s2 =	sadd.s32 $0x100, s2;
	s4 =	sadd.s32 s3, s11  }
0x137: {  	[tilespmem:s0], [sflag:$0x2] =	stream.linear.gather [hbm4b:s4+s5], $0x80, $0x38;
	[tilespmem:$0x11080] =	vst v63  }
0x138: {  	s19 =	simm.s32 $0x1  }
0x139: {  	_ =	swait.ge [sflag:s19], $0x7C00  }
0x13a: {  	[sflag:s19] =	ssyncset.done $0x0  }
0x13b: {  	s2 =	simm.s32 $0x0;
	[sflag:s19] =	ssyncadd.s32 $0xFFFF8400  }
0x13c: {  	v0 =	vld [tilespmem:s2+$0x70]  }
0x13d: {  	v1 =	vld [tilespmem:s2+$0x0]  }
0x13e: {  	v3 =	vld [tilespmem:s2+$0x10]  }
0x13f: {  	v12 =	vld [tilespmem:s2+$0x20]  }
0x140: {  	v11 =	vld [tilespmem:s2+$0x30]  }
0x141: {  	v2 =	vimm.f32 $0.0e+00;
	v8 =	vimm.f32 $0.0e+00;
	v4 =	vld [tilespmem:s2+$0x40]  }
0x142: {  	v9 =	vimm.f32 $0.0e+00;
	v5 =	vld [tilespmem:s2+$0x50];
	v0 =	vadd.f32 v0, v2;
	v7 =	vadd.f32 v1, v2  }
0x143: {  	s0 =	simm.s32 $0x100;
	s1 =	simm.s32 $0x800;
	s17 =	smov.u32 s15;
	v6 =	vld [tilespmem:s2+$0x60];
	v10 =	vadd.f32 v3, v2;
	v3 =	vimm.f32 $0.0e+00;
	v1 =	vimm.f32 $0.0e+00  }
.LBB2_18:
0x144: {  	p0 =	sne.s32 s1, $0x3DC00;
	v13 =	vld [tilespmem:s0+$0x70];
	v2 =	vadd.f32 v12, v2  }
0x145: {  	v14 =	vld [tilespmem:s0+$0x0];
	v8 =	vadd.f32 v11, v8  }
0x146: {  	v15 =	vld [tilespmem:s0+$0x10];
	v9 =	vadd.f32 v4, v9  }
.Ltmp8:
0x147: {  	v12 =	vld [tilespmem:s0+$0x20];
	v3 =	vadd.f32 v5, v3;
	(pc) =	sbr.rel @p0 .LBB2_18-.Ltmp8, $4  }
0x148: {  	v11 =	vld [tilespmem:s0+$0x30];
	v1 =	vadd.f32 v6, v1  }
0x149: {  	v4 =	vld [tilespmem:s0+$0x40];
	v0 =	vadd.f32 v13, v0  }
0x14a: {  	v7 =	vadd.f32 v14, v7;
	v5 =	vld [tilespmem:s0+$0x50]  }
0x14b: {  	v10 =	vadd.f32 v15, v10;
	v6 =	vld [tilespmem:s0+$0x60];
	s0 =	sshra.s32 s1, $0x2;
	s1 =	sadd.s32 $0x400, s1  }
0x14c: {  	v13 =	vld [tilespmem:s0+$0x0]  }
0x14d: {  	v14 =	vld [tilespmem:s0+$0x10];
	_ =	sdelay $0x1  }
0x14e: {  	v15 =	vld [tilespmem:s0+$0x20];
	_ =	sdelay $0x1  }
0x14f: {  	v2 =	vadd.f32 v12, v2;
	v63 =	vld [tilespmem:s0+$0x30]  }
0x150: {  	v7 =	vadd.f32 v13, v7;
	v10 =	vadd.f32 v14, v10  }
0x151: {  	v8 =	vadd.f32 v11, v8;
	v11 =	vld [tilespmem:s0+$0x40]  }
0x152: {  	v2 =	vadd.f32 v15, v2;
	v7 =	vadd.f32 v10, v7  }
0x153: {  	v4 =	vadd.f32 v4, v9;
	v9 =	vld [tilespmem:s0+$0x50]  }
0x154: {  	v8 =	vadd.f32 v63, v8;
	v2 =	vadd.f32 v2, v7  }
0x155: {  	v3 =	vadd.f32 v5, v3;
	v5 =	vld [tilespmem:s0+$0x60]  }
0x156: {  	v4 =	vadd.f32 v11, v4;
	v2 =	vadd.f32 v8, v2  }
0x157: {  	v1 =	vadd.f32 v6, v1;
	v7 =	vld [tilespmem:s0+$0x70]  }
0x158: {  	v3 =	vadd.f32 v9, v3;
	v2 =	vadd.f32 v4, v2;
	_ =	sdelay $0x1  }
0x159: {  	v1 =	vadd.f32 v5, v1;
	v2 =	vadd.f32 v3, v2;
	_ =	sdelay $0x1  }
0x15a: {  	v0 =	vadd.f32 v7, v0;
	v1 =	vadd.f32 v1, v2;
	_ =	sdelay $0x1  }
0x15b: {  	v0 =	vadd.f32 v0, v1;
	_ =	sdelay $0x1  }
0x15c: {  	(v2sf) =	vpush v0, $0x0  }
0x15d: {  	(v2sf) =	vpush v0, $0x1;
	_ =	sdelay $0x1  }
0x15e: {  	(v2sf) =	vpush v0, $0x2;
	_ =	sdelay $0x1  }
0x15f: {  	(v2sf) =	vpush v0, $0x3;
	_ =	sdelay $0x1  }
0x160: {  	(v2sf) =	vpush v0, $0x4;
	_ =	sdelay $0x1  }
0x161: {  	(v2sf) =	vpush v0, $0x5;
	_ =	sdelay $0x1  }
0x162: {  	(v2sf) =	vpush v0, $0x6;
	_ =	sdelay $0x1  }
0x163: {  	(v2sf) =	vpush v0, $0x7;
	_ =	sdelay $0x1  }
0x164: {  	s26 =	spop (v2sf);
	(v2sf) =	vpush v0, $0x8  }
0x165: {  	s1 =	spop (v2sf)  }
0x166: {  	(v2sf) =	vpush v0, $0x9;
	s0 =	sadd.f32 s1, s26  }
0x167: {  	s28 =	spop (v2sf)  }
0x168: {  	(v2sf) =	vpush v0, $0xA;
	s0 =	sadd.f32 s0, s28  }
0x169: {  	s29 =	spop (v2sf)  }
0x16a: {  	(v2sf) =	vpush v0, $0xB;
	s0 =	sadd.f32 s0, s29  }
0x16b: {  	s30 =	spop (v2sf)  }
0x16c: {  	(v2sf) =	vpush v0, $0xC;
	s0 =	sadd.f32 s0, s30  }
0x16d: {  	s31 =	spop (v2sf)  }
0x16e: {  	(v2sf) =	vpush v0, $0xD;
	s0 =	sadd.f32 s0, s31  }
0x16f: {  	s2 =	spop (v2sf)  }
0x170: {  	(v2sf) =	vpush v0, $0xE;
	s0 =	sadd.f32 s0, s2  }
0x171: {  	s3 =	spop (v2sf)  }
0x172: {  	(v2sf) =	vpush v0, $0xF;
	s0 =	sadd.f32 s0, s3  }
0x173: {  	s4 =	spop (v2sf)  }
0x174: {  	s0 =	sadd.f32 s0, s4  }
0x175: {  	s14 =	spop (v2sf)  }
0x176: {  	s0 =	sadd.f32 s0, s14  }
0x177: {  	s15 =	spop (v2sf)  }
0x178: {  	s0 =	sadd.f32 s0, s15  }
0x179: {  	s16 =	spop (v2sf)  }
0x17a: {  	s0 =	sadd.f32 s0, s16  }
0x17b: {  	s18 =	spop (v2sf)  }
0x17c: {  	s0 =	sadd.f32 s0, s18  }
0x17d: {  	s20 =	spop (v2sf)  }
0x17e: {  	s0 =	sadd.f32 s0, s20  }
0x17f: {  	s21 =	spop (v2sf)  }
0x180: {  	s0 =	sadd.f32 s0, s21  }
0x181: {  	s23 =	simm.s32 $0xF880;
	s22 =	spop (v2sf)  }
0x182: {  	v1 =	vld [tilespmem:s23+$0x0];
	s2 =	simm.s32 $0xFC80;
	s20 =	simm.s32 $0x0;
	s0 =	sadd.f32 s0, s22  }
0x183: {  	v3 =	vld [tilespmem:s2+$0x0];
	s15 =	rddreg [dreg:$0x7];
	s24 =	sand.u32 $0x3C0, s20  }
0x184: {  	v2 =	vld [tilespmem:s24+$0xF8B0];
	s0 =	smul.f32 s0, s15  }
0x185: {  	v4 =	vld [tilespmem:s24+$0xF890]  }
0x186: {  	v5 =	vld [tilespmem:s24+$0xFCB0];
	s0 =	sadd.f32 s0, s17  }
0x187: {  	v6 =	vld [tilespmem:s24+$0xF8A0]  }
0x188: {  	p0 =	por $0x0, $0x0;
	v7 =	vld [tilespmem:s24+$0xFC90];
	v0 =	vmov s0;
	s0 =	simm.s32 $0x1  }
0x189: {  	s25 =	simm.s32 $0xFCC0;
	v8 =	vld [tilespmem:s24+$0xFCA0];
	s0 =	simm.s32 @!p0 $0x0;
	v9 =	vmul.f32 v2, v0  }
0x18a: {  	s26 =	simm.s32 $0xF8C0;
	s21 =	simm.s32 $0x40;
	v2 =	vld [tilespmem:s25+$0x0];
	v10 =	vmul.f32 v1, v0;
	s0 =	sshll.u32 s0, $0x6  }
0x18b: {  	s28 =	sand.u32 $0x3C0, s21;
	v4 =	vmul.f32 v4, v0;
	v1 =	vld [tilespmem:s26+$0x0];
	s0 =	sadd.s32 $0x0, s0;
	v5 =	vadd.f32 v5, v9  }
0x18c: {  	v6 =	vmul.f32 v6, v0;
	v9 =	vld [tilespmem:s28+$0xF8B0];
	v10 =	vadd.f32 v3, v10;
	s29 =	sadd.s32 $0x30, s0  }
0x18d: {  	v3 =	vld [tilespmem:s28+$0xF890];
	v7 =	vadd.f32 v7, v4;
	v5 =	vmax.f32 v5, $0.0e+00;
	s1 =	sor.u32 $0x100, s29  }
0x18e: {  	v4 =	vld [tilespmem:s28+$0xFCB0];
	v6 =	vadd.f32 v8, v6;
	s3 =	sadd.s32 $0x10, s0;
	s4 =	sor.u32 $0x100, s0;
	v10 =	vmax.f32 v10, $0.0e+00;
	[tilespmem:s1+$0x10080] =	vst v5  }
0x18f: {  	s22 =	simm.s32 $0x4;
	s0 =	sadd.s32 $0x20, s0;
	s30 =	sor.u32 $0x100, s3;
	v8 =	vmax.f32 v7, $0.0e+00;
	v7 =	vld [tilespmem:s28+$0xFC90];
	[tilespmem:s4+$0x10080] =	vst v10  }
0x190: {  	p0 =	por !p0, !p0;
	s31 =	sor.u32 $0x100, s0;
	v5 =	vld [tilespmem:s28+$0xF8A0];
	[tilespmem:s30+$0x10080] =	vst v8;
	v10 =	vmax.f32 v6, $0.0e+00;
	s1 =	simm.s32 $0x1  }
0x191: {  	s0 =	simm.s32 $0xF900;
	v6 =	vld [tilespmem:s28+$0xFCA0];
	s4 =	simm.s32 $0xFD00;
	s1 =	simm.s32 @!p0 $0x0;
	[tilespmem:s31+$0x10080] =	vst v10;
	v8 =	vmul.f32 v9, v0  }
.LBB2_20:
0x192: {  	s1 =	sshll.u32 s1, $0x6  }
0x193: {  	v9 =	vld [tilespmem:s4+$0x0];
	v10 =	vmul.f32 v1, v0;
	v11 =	vmul.f32 v3, v0;
	s21 =	sadd.s32 $0x40, s21;
	s20 =	sadd.s32 $0x100, s20;
	s22 =	sadd.s32 $0x4, s22  }
0x194: {  	v1 =	vld [tilespmem:s0+$0x0];
	s2 =	sand.u32 $0x3C0, s21;
	s1 =	sadd.s32 s1, s20;
	v4 =	vadd.f32 v4, v8;
	p1 =	slt.u32 s22, $0x3C  }
0x195: {  	v8 =	vld [tilespmem:s2+$0xF8B0];
	v12 =	vadd.f32 v2, v10;
	s3 =	sadd.s32 $0x10, s1;
	v5 =	vmul.f32 v5, v0;
	s14 =	sadd.s32 $0x30, s1;
	s16 =	sadd.s32 $0x20, s1  }
.Ltmp9:
0x196: {  	v3 =	vld [tilespmem:s2+$0xF890];
	v7 =	vadd.f32 v7, v11;
	s3 =	sor.u32 $0x100, s3;
	v10 =	vmax.f32 v4, $0.0e+00;
	s14 =	sor.u32 $0x100, s14;
	(pc) =	sbr.rel @p1 .LBB2_20-.Ltmp9, $4  }
0x197: {  	s1 =	sor.u32 $0x100, s1;
	s16 =	sor.u32 $0x100, s16;
	v4 =	vld [tilespmem:s2+$0xFCB0];
	v11 =	vmax.f32 v12, $0.0e+00;
	v6 =	vadd.f32 v6, v5;
	[tilespmem:s14+$0x10080] =	vst v10  }
0x198: {  	v5 =	vld [tilespmem:s2+$0xF8A0];
	[tilespmem:s1+$0x10080] =	vst v11;
	v10 =	vmax.f32 v7, $0.0e+00;
	v2 =	vmov v9  }
0x199: {  	p0 =	por !p0, !p0;
	s1 =	simm.s32 $0x1;
	v7 =	vld [tilespmem:s2+$0xFC90];
	[tilespmem:s3+$0x10080] =	vst v10;
	v9 =	vmax.f32 v6, $0.0e+00  }
0x19a: {  	s4 =	sadd.s32 $0x40, s4;
	s0 =	sadd.s32 $0x40, s0;
	s1 =	simm.s32 @!p0 $0x0;
	v6 =	vld [tilespmem:s2+$0xFCA0];
	v8 =	vmul.f32 v8, v0;
	[tilespmem:s16+$0x10080] =	vst v9  }
0x19b: {  	s0 =	sshll.u32 s1, $0x6;
	v1 =	vmul.f32 v1, v0;
	s29 =	sadd.s32 $0x100, s20  }
0x19c: {  	v3 =	vmul.f32 v3, v0;
	s0 =	sadd.s32 s0, s29;
	v4 =	vadd.f32 v4, v8  }
0x19d: {  	v1 =	vadd.f32 v2, v1;
	v0 =	vmul.f32 v5, v0;
	s1 =	sadd.s32 $0x30, s0  }
0x19e: {  	v2 =	vadd.f32 v7, v3;
	v3 =	vmax.f32 v4, $0.0e+00;
	s1 =	sor.u32 $0x100, s1  }
0x19f: {  	s2 =	sadd.s32 $0x10, s0;
	s3 =	sor.u32 $0x100, s0;
	v1 =	vmax.f32 v1, $0.0e+00;
	v0 =	vadd.f32 v6, v0;
	[tilespmem:s1+$0x10080] =	vst v3  }
0x1a0: {  	s0 =	sadd.s32 $0x20, s0;
	s30 =	sor.u32 $0x100, s2;
	[tilespmem:s3+$0x10080] =	vst v1;
	v1 =	vmax.f32 v2, $0.0e+00  }
0x1a1: {  	s0 =	sor.u32 $0x100, s0;
	[tilespmem:s30+$0x10080] =	vst v1;
	v0 =	vmax.f32 v0, $0.0e+00  }
0x1a2: {  	s31 =	simm.s32 $0x0;
	s2 =	simm.s32 $0x10180;
	[tilespmem:s0+$0x10080] =	vst v0  }
0x1a3: {  	[hbm4b:s12+s31] =	stream.linear.scatter [tilespmem:s2], [sflag:$0x3], $0x80, $0x38;
	[tilespmem:$0x11080] =	vst v63  }
0x1a4: {  	s4 =	simm.s32 $0x10380;
	s3 =	sadd.s32 $0x10, s12  }
0x1a5: {  	[hbm4b:s3+s31] =	stream.linear.scatter [tilespmem:s4], [sflag:$0x3], $0x80, $0x38;
	[tilespmem:$0x11080] =	vst v63  }
0x1a6: {  	s14 =	sadd.s32 $0x20, s12;
	s16 =	simm.s32 $0x10580  }
0x1a7: {  	[hbm4b:s14+s31] =	stream.linear.scatter [tilespmem:s16], [sflag:$0x3], $0x80, $0x38;
	[tilespmem:$0x11080] =	vst v63  }
0x1a8: {  	s18 =	sadd.s32 $0x30, s12;
	s20 =	simm.s32 $0x10780  }
0x1a9: {  	[hbm4b:s18+s31] =	stream.linear.scatter [tilespmem:s20], [sflag:$0x3], $0x80, $0x38;
	[tilespmem:$0x11080] =	vst v63  }
0x1aa: {  	s21 =	sadd.s32 $0x40, s12;
	s22 =	simm.s32 $0x10980  }
0x1ab: {  	[hbm4b:s21+s31] =	stream.linear.scatter [tilespmem:s22], [sflag:$0x3], $0x80, $0x38;
	[tilespmem:$0x11080] =	vst v63  }
0x1ac: {  	s23 =	sadd.s32 $0x50, s12;
	s24 =	simm.s32 $0x10B80  }
0x1ad: {  	[hbm4b:s23+s31] =	stream.linear.scatter [tilespmem:s24], [sflag:$0x3], $0x80, $0x38;
	[tilespmem:$0x11080] =	vst v63  }
0x1ae: {  	s25 =	sadd.s32 $0x60, s12;
	s26 =	simm.s32 $0x10D80  }
0x1af: {  	[hbm4b:s25+s31] =	stream.linear.scatter [tilespmem:s26], [sflag:$0x3], $0x80, $0x38;
	[tilespmem:$0x11080] =	vst v63  }
0x1b0: {  	s28 =	sadd.s32 $0x70, s12;
	s29 =	simm.s32 $0x10F80;
	s30 =	simm.s32 $0x2  }
0x1b1: {  	[hbm4b:s28+s31] =	stream.linear.scatter [tilespmem:s29], [sflag:$0x3], $0x80, $0x38;
	[tilespmem:$0x11080] =	vst v63  }
0x1b2: {  	_ =	swait.ge [sflag:s30], $0x7C00  }
0x1b3: {  	[sflag:s30] =	ssyncset.done $0x0  }
0x1b4: {  	s31 =	simm.s32 $0x0;
	[sflag:s30] =	ssyncadd.s32 $0xFFFF8400  }
0x1b5: {  	v0 =	vld [tilespmem:s31+$0xF0]  }
0x1b6: {  	v1 =	vld [tilespmem:s31+$0x80]  }
0x1b7: {  	v3 =	vld [tilespmem:s31+$0x90]  }
0x1b8: {  	v12 =	vld [tilespmem:s31+$0xA0]  }
0x1b9: {  	v11 =	vld [tilespmem:s31+$0xB0]  }
0x1ba: {  	v9 =	vimm.f32 $0.0e+00;
	v2 =	vimm.f32 $0.0e+00;
	v4 =	vld [tilespmem:s31+$0xC0]  }
0x1bb: {  	v8 =	vimm.f32 $0.0e+00;
	v5 =	vld [tilespmem:s31+$0xD0];
	v0 =	vadd.f32 v0, v2;
	v7 =	vadd.f32 v1, v2  }
0x1bc: {  	s1 =	simm.s32 $0x800;
	s0 =	simm.s32 $0x100;
	v6 =	vld [tilespmem:s31+$0xE0];
	v10 =	vadd.f32 v3, v2;
	v3 =	vimm.f32 $0.0e+00;
	v1 =	vimm.f32 $0.0e+00  }
.LBB2_22:
0x1bd: {  	p0 =	sne.s32 s1, $0x3DC00;
	v13 =	vld [tilespmem:s0+$0xF0];
	v2 =	vadd.f32 v12, v2  }
0x1be: {  	v14 =	vld [tilespmem:s0+$0x80];
	v8 =	vadd.f32 v11, v8  }
0x1bf: {  	v15 =	vld [tilespmem:s0+$0x90];
	v9 =	vadd.f32 v4, v9  }
.Ltmp10:
0x1c0: {  	v12 =	vld [tilespmem:s0+$0xA0];
	v3 =	vadd.f32 v5, v3;
	(pc) =	sbr.rel @p0 .LBB2_22-.Ltmp10, $4  }
0x1c1: {  	v11 =	vld [tilespmem:s0+$0xB0];
	v1 =	vadd.f32 v6, v1  }
0x1c2: {  	v4 =	vld [tilespmem:s0+$0xC0];
	v0 =	vadd.f32 v13, v0  }
0x1c3: {  	v7 =	vadd.f32 v14, v7;
	v5 =	vld [tilespmem:s0+$0xD0]  }
0x1c4: {  	v10 =	vadd.f32 v15, v10;
	v6 =	vld [tilespmem:s0+$0xE0];
	s0 =	sshra.s32 s1, $0x2;
	s1 =	sadd.s32 $0x400, s1  }
0x1c5: {  	v13 =	vld [tilespmem:s0+$0x80]  }
0x1c6: {  	v14 =	vld [tilespmem:s0+$0x90];
	_ =	sdelay $0x1  }
0x1c7: {  	v15 =	vld [tilespmem:s0+$0xA0];
	_ =	sdelay $0x1  }
0x1c8: {  	v2 =	vadd.f32 v12, v2;
	v63 =	vld [tilespmem:s0+$0xB0]  }
0x1c9: {  	v7 =	vadd.f32 v13, v7;
	v10 =	vadd.f32 v14, v10  }
0x1ca: {  	v8 =	vadd.f32 v11, v8;
	v11 =	vld [tilespmem:s0+$0xC0]  }
0x1cb: {  	v2 =	vadd.f32 v15, v2;
	v7 =	vadd.f32 v10, v7  }
0x1cc: {  	v4 =	vadd.f32 v4, v9;
	v9 =	vld [tilespmem:s0+$0xD0]  }
0x1cd: {  	v8 =	vadd.f32 v63, v8;
	v2 =	vadd.f32 v2, v7  }
0x1ce: {  	v3 =	vadd.f32 v5, v3;
	v5 =	vld [tilespmem:s0+$0xE0]  }
0x1cf: {  	v4 =	vadd.f32 v11, v4;
	v2 =	vadd.f32 v8, v2  }
0x1d0: {  	v1 =	vadd.f32 v6, v1;
	v7 =	vld [tilespmem:s0+$0xF0]  }
0x1d1: {  	v3 =	vadd.f32 v9, v3;
	v2 =	vadd.f32 v4, v2;
	_ =	sdelay $0x1  }
0x1d2: {  	v1 =	vadd.f32 v5, v1;
	v2 =	vadd.f32 v3, v2;
	_ =	sdelay $0x1  }
0x1d3: {  	v0 =	vadd.f32 v7, v0;
	v1 =	vadd.f32 v1, v2;
	_ =	sdelay $0x1  }
0x1d4: {  	v0 =	vadd.f32 v0, v1;
	_ =	sdelay $0x1  }
0x1d5: {  	(v2sf) =	vpush v0, $0x0  }
0x1d6: {  	(v2sf) =	vpush v0, $0x1;
	_ =	sdelay $0x1  }
0x1d7: {  	(v2sf) =	vpush v0, $0x2;
	_ =	sdelay $0x1  }
0x1d8: {  	(v2sf) =	vpush v0, $0x3;
	_ =	sdelay $0x1  }
0x1d9: {  	(v2sf) =	vpush v0, $0x4;
	_ =	sdelay $0x1  }
0x1da: {  	(v2sf) =	vpush v0, $0x5;
	_ =	sdelay $0x1  }
0x1db: {  	(v2sf) =	vpush v0, $0x6;
	_ =	sdelay $0x1  }
0x1dc: {  	(v2sf) =	vpush v0, $0x7;
	_ =	sdelay $0x1  }
0x1dd: {  	s25 =	spop (v2sf);
	(v2sf) =	vpush v0, $0x8  }
0x1de: {  	s1 =	spop (v2sf)  }
0x1df: {  	(v2sf) =	vpush v0, $0x9;
	s0 =	sadd.f32 s1, s25  }
0x1e0: {  	s26 =	spop (v2sf)  }
0x1e1: {  	(v2sf) =	vpush v0, $0xA;
	s0 =	sadd.f32 s0, s26  }
0x1e2: {  	s28 =	spop (v2sf)  }
0x1e3: {  	(v2sf) =	vpush v0, $0xB;
	s0 =	sadd.f32 s0, s28  }
0x1e4: {  	s29 =	spop (v2sf)  }
0x1e5: {  	(v2sf) =	vpush v0, $0xC;
	s0 =	sadd.f32 s0, s29  }
0x1e6: {  	s30 =	spop (v2sf)  }
0x1e7: {  	(v2sf) =	vpush v0, $0xD;
	s0 =	sadd.f32 s0, s30  }
0x1e8: {  	s31 =	spop (v2sf)  }
0x1e9: {  	(v2sf) =	vpush v0, $0xE;
	s0 =	sadd.f32 s0, s31  }
0x1ea: {  	s2 =	spop (v2sf)  }
0x1eb: {  	(v2sf) =	vpush v0, $0xF;
	s0 =	sadd.f32 s0, s2  }
0x1ec: {  	s3 =	spop (v2sf)  }
0x1ed: {  	s0 =	sadd.f32 s0, s3  }
0x1ee: {  	s4 =	spop (v2sf)  }
0x1ef: {  	s0 =	sadd.f32 s0, s4  }
0x1f0: {  	s14 =	spop (v2sf)  }
0x1f1: {  	s0 =	sadd.f32 s0, s14  }
0x1f2: {  	s16 =	spop (v2sf)  }
0x1f3: {  	s0 =	sadd.f32 s0, s16  }
0x1f4: {  	s18 =	spop (v2sf)  }
0x1f5: {  	s0 =	sadd.f32 s0, s18  }
0x1f6: {  	s20 =	spop (v2sf)  }
0x1f7: {  	s0 =	sadd.f32 s0, s20  }
0x1f8: {  	s21 =	spop (v2sf)  }
0x1f9: {  	s0 =	sadd.f32 s0, s21  }
0x1fa: {  	s23 =	simm.s32 $0xF880;
	s22 =	spop (v2sf)  }
0x1fb: {  	v1 =	vld [tilespmem:s23+$0x0];
	s2 =	simm.s32 $0xFC80;
	s20 =	simm.s32 $0x0;
	s0 =	sadd.f32 s0, s22  }
0x1fc: {  	v3 =	vld [tilespmem:s2+$0x0];
	s24 =	sand.u32 $0x3C0, s20  }
0x1fd: {  	v2 =	vld [tilespmem:s24+$0xF8B0];
	s0 =	smul.f32 s0, s15  }
0x1fe: {  	v4 =	vld [tilespmem:s24+$0xF890]  }
0x1ff: {  	v5 =	vld [tilespmem:s24+$0xFCB0];
	s0 =	sadd.f32 s0, s17  }
0x200: {  	v6 =	vld [tilespmem:s24+$0xF8A0]  }
0x201: {  	p0 =	por $0x0, $0x0;
	v7 =	vld [tilespmem:s24+$0xFC90];
	v0 =	vmov s0;
	s0 =	simm.s32 $0x1  }
0x202: {  	s25 =	simm.s32 $0xFCC0;
	v8 =	vld [tilespmem:s24+$0xFCA0];
	s0 =	simm.s32 @!p0 $0x0;
	v9 =	vmul.f32 v2, v0  }
0x203: {  	s26 =	simm.s32 $0xF8C0;
	s17 =	simm.s32 $0x40;
	v2 =	vld [tilespmem:s25+$0x0];
	v10 =	vmul.f32 v1, v0;
	s0 =	sshll.u32 s0, $0x6  }
0x204: {  	s28 =	sand.u32 $0x3C0, s17;
	v4 =	vmul.f32 v4, v0;
	v1 =	vld [tilespmem:s26+$0x0];
	s0 =	sadd.s32 $0x0, s0;
	v5 =	vadd.f32 v5, v9  }
0x205: {  	v6 =	vmul.f32 v6, v0;
	v9 =	vld [tilespmem:s28+$0xF8B0];
	v10 =	vadd.f32 v3, v10;
	s29 =	sadd.s32 $0x30, s0  }
0x206: {  	v3 =	vld [tilespmem:s28+$0xF890];
	v7 =	vadd.f32 v7, v4;
	v5 =	vmax.f32 v5, $0.0e+00;
	s1 =	sor.u32 $0x180, s29  }
0x207: {  	v4 =	vld [tilespmem:s28+$0xFCB0];
	v6 =	vadd.f32 v8, v6;
	s3 =	sadd.s32 $0x10, s0;
	s4 =	sor.u32 $0x180, s0;
	v10 =	vmax.f32 v10, $0.0e+00;
	[tilespmem:s1+$0x10080] =	vst v5  }
0x208: {  	s18 =	simm.s32 $0x4;
	s0 =	sadd.s32 $0x20, s0;
	s30 =	sor.u32 $0x180, s3;
	v8 =	vmax.f32 v7, $0.0e+00;
	v7 =	vld [tilespmem:s28+$0xFC90];
	[tilespmem:s4+$0x10080] =	vst v10  }
0x209: {  	p0 =	por !p0, !p0;
	s31 =	sor.u32 $0x180, s0;
	v5 =	vld [tilespmem:s28+$0xF8A0];
	[tilespmem:s30+$0x10080] =	vst v8;
	v10 =	vmax.f32 v6, $0.0e+00;
	s1 =	simm.s32 $0x1  }
0x20a: {  	s0 =	simm.s32 $0xF900;
	v6 =	vld [tilespmem:s28+$0xFCA0];
	s4 =	simm.s32 $0xFD00;
	s1 =	simm.s32 @!p0 $0x0;
	[tilespmem:s31+$0x10080] =	vst v10;
	v8 =	vmul.f32 v9, v0  }
.LBB2_24:
0x20b: {  	s1 =	sshll.u32 s1, $0x6  }
0x20c: {  	v9 =	vld [tilespmem:s4+$0x0];
	v10 =	vmul.f32 v1, v0;
	v11 =	vmul.f32 v3, v0;
	s17 =	sadd.s32 $0x40, s17;
	s20 =	sadd.s32 $0x100, s20;
	s18 =	sadd.s32 $0x4, s18  }
0x20d: {  	v1 =	vld [tilespmem:s0+$0x0];
	s2 =	sand.u32 $0x3C0, s17;
	s1 =	sadd.s32 s1, s20;
	v4 =	vadd.f32 v4, v8;
	p1 =	slt.u32 s18, $0x3C  }
0x20e: {  	v8 =	vld [tilespmem:s2+$0xF8B0];
	v12 =	vadd.f32 v2, v10;
	s3 =	sadd.s32 $0x10, s1;
	v5 =	vmul.f32 v5, v0;
	s14 =	sadd.s32 $0x30, s1;
	s16 =	sadd.s32 $0x20, s1  }
.Ltmp11:
0x20f: {  	v3 =	vld [tilespmem:s2+$0xF890];
	v7 =	vadd.f32 v7, v11;
	s3 =	sor.u32 $0x180, s3;
	v10 =	vmax.f32 v4, $0.0e+00;
	s14 =	sor.u32 $0x180, s14;
	(pc) =	sbr.rel @p1 .LBB2_24-.Ltmp11, $4  }
0x210: {  	s1 =	sor.u32 $0x180, s1;
	s16 =	sor.u32 $0x180, s16;
	v4 =	vld [tilespmem:s2+$0xFCB0];
	v11 =	vmax.f32 v12, $0.0e+00;
	v6 =	vadd.f32 v6, v5;
	[tilespmem:s14+$0x10080] =	vst v10  }
0x211: {  	v5 =	vld [tilespmem:s2+$0xF8A0];
	[tilespmem:s1+$0x10080] =	vst v11;
	v10 =	vmax.f32 v7, $0.0e+00;
	v2 =	vmov v9  }
0x212: {  	p0 =	por !p0, !p0;
	s1 =	simm.s32 $0x1;
	v7 =	vld [tilespmem:s2+$0xFC90];
	[tilespmem:s3+$0x10080] =	vst v10;
	v9 =	vmax.f32 v6, $0.0e+00  }
0x213: {  	s4 =	sadd.s32 $0x40, s4;
	s0 =	sadd.s32 $0x40, s0;
	s1 =	simm.s32 @!p0 $0x0;
	v6 =	vld [tilespmem:s2+$0xFCA0];
	v8 =	vmul.f32 v8, v0;
	[tilespmem:s16+$0x10080] =	vst v9  }
0x214: {  	s0 =	sshll.u32 s1, $0x6;
	v1 =	vmul.f32 v1, v0;
	s31 =	sadd.s32 $0x100, s20  }
0x215: {  	v3 =	vmul.f32 v3, v0;
	s0 =	sadd.s32 s0, s31;
	v4 =	vadd.f32 v4, v8  }
0x216: {  	v1 =	vadd.f32 v2, v1;
	v60 =	vmul.f32 v5, v0;
	s1 =	sadd.s32 $0x30, s0  }
0x217: {  	v61 =	vadd.f32 v7, v3;
	v62 =	vmax.f32 v4, $0.0e+00;
	s1 =	sor.u32 $0x180, s1  }
0x218: {  	s2 =	sadd.s32 $0x10, s0;
	s3 =	sor.u32 $0x180, s0;
	v1 =	vmax.f32 v1, $0.0e+00;
	v0 =	vadd.f32 v6, v60;
	[tilespmem:s1+$0x10080] =	vst v62  }
0x219: {  	s0 =	sadd.s32 $0x20, s0;
	s2 =	sor.u32 $0x180, s2;
	[tilespmem:s3+$0x10080] =	vst v1;
	v63 =	vmax.f32 v61, $0.0e+00  }
0x21a: {  	s0 =	sor.u32 $0x180, s0;
	[tilespmem:s2+$0x10080] =	vst v63;
	v0 =	vmax.f32 v0, $0.0e+00  }
0x21b: {  	s3 =	simm.s32 $0x10200;
	[tilespmem:s0+$0x10080] =	vst v0  }
0x21c: {  	[hbm4b:s13+s5] =	stream.linear.scatter [tilespmem:s3], [sflag:$0x3], $0x80, $0x38;
	[tilespmem:$0x11080] =	vst v63  }
0x21d: {  	s4 =	sadd.s32 $0x10, s13;
	s14 =	simm.s32 $0x10400  }
0x21e: {  	[hbm4b:s4+s5] =	stream.linear.scatter [tilespmem:s14], [sflag:$0x3], $0x80, $0x38;
	[tilespmem:$0x11080] =	vst v63  }
0x21f: {  	s15 =	sadd.s32 $0x20, s13;
	s16 =	simm.s32 $0x10600  }
0x220: {  	[hbm4b:s15+s5] =	stream.linear.scatter [tilespmem:s16], [sflag:$0x3], $0x80, $0x38;
	[tilespmem:$0x11080] =	vst v63  }
0x221: {  	s17 =	sadd.s32 $0x30, s13;
	s18 =	simm.s32 $0x10800  }
0x222: {  	[hbm4b:s17+s5] =	stream.linear.scatter [tilespmem:s18], [sflag:$0x3], $0x80, $0x38;
	[tilespmem:$0x11080] =	vst v63  }
0x223: {  	s20 =	sadd.s32 $0x40, s13;
	s21 =	simm.s32 $0x10A00  }
0x224: {  	[hbm4b:s20+s5] =	stream.linear.scatter [tilespmem:s21], [sflag:$0x3], $0x80, $0x38;
	[tilespmem:$0x11080] =	vst v63  }
0x225: {  	s22 =	sadd.s32 $0x50, s13;
	s23 =	simm.s32 $0x10C00  }
0x226: {  	[hbm4b:s22+s5] =	stream.linear.scatter [tilespmem:s23], [sflag:$0x3], $0x80, $0x38;
	[tilespmem:$0x11080] =	vst v63  }
0x227: {  	s24 =	sadd.s32 $0x60, s13;
	s25 =	simm.s32 $0x10E00  }
0x228: {  	[hbm4b:s24+s5] =	stream.linear.scatter [tilespmem:s25], [sflag:$0x3], $0x80, $0x38;
	[tilespmem:$0x11080] =	vst v63  }
0x229: {  	s26 =	sadd.s32 $0x70, s13;
	s28 =	simm.s32 $0x11000;
	s29 =	simm.s32 $0x3  }
0x22a: {  	[hbm4b:s26+s5] =	stream.linear.scatter [tilespmem:s28], [sflag:$0x3], $0x80, $0x38;
	[tilespmem:$0x11080] =	vst v63  }
0x22b: {  	_ =	swait.ge [sflag:s29], $0x400  }
0x22c: {  	[sflag:s29] =	ssyncset.done $0x0  }
0x22d: {  	[sflag:s29] =	ssyncadd.s32 $0xFFFFFC00  }
0x22e: {  	_ =	swait.ge [sflag:s29], $0x400  }
0x22f: {  	[sflag:s29] =	ssyncset.done $0x0  }
0x230: {  	[sflag:s29] =	ssyncadd.s32 $0xFFFFFC00  }
0x231: {  	_ =	swait.ge [sflag:s29], $0x400  }
0x232: {  	[sflag:s29] =	ssyncset.done $0x0  }
0x233: {  	[sflag:s29] =	ssyncadd.s32 $0xFFFFFC00  }
0x234: {  	_ =	swait.ge [sflag:s29], $0x400  }
0x235: {  	s30 =	rddreg [dreg:$0x6]  }
0x236: {  	s31 =	rddreg [dreg:$0x5];
	s2 =	sadd.s32 $0x1, s30  }
0x237: {  	p0 =	sne.s32 s2, s31  }
.Ltmp12:
0x238: {  	_ = 	snop;
	(pc) =	sbr.rel @p0 .LBB2_1-.Ltmp12, $3  }
0x239: {  	_ =	sdelay $0x1  }
0x23a: {  	[sflag:s29] =	ssyncset.done $0x0  }
0x23b: {  	[sflag:s29] =	ssyncadd.s32 $0xFFFFFC00  }
0x23c: {  	_ =	sfence.sel $0x180000  }
0x23d: {  	[bflag:$0x0] =	sbarrier.arrive $0xFFFF  }
0x23e: {  	_ =	strace $0x90000047  }
0x23f: {  	s0 =	stileid.u32;
	[bflag:$0x2] =	sbarrier.arrive $0xFFFF  }
0x240: {  	p0 =	sne.s32 s0, $0x0;
	s0 =	rddreg [dreg:$0x4]  }
0x241: {  	s0 =	sadd.s32 @!p0 $0x100000, s0  }
0x242: {  	[sflag:s0] =	ssyncadd.tile.s32 @!p0 $0x1;
	_ =	shalt  }
.Lfunc_end2:
_tile_overlayer_lowered:
.L_overlay_start_2:
0x243: {  	(tag) =	ssettag $0x2  }
0x244: {  	s0 =	rddreg [dreg:$0x0];
	s2 =	stileid.u32  }
0x245: {  	s1 =	rddreg [dreg:$0x1];
	p0 =	sne.s32 s2, $0x0  }
0x246: {  	s3 =	rddreg [dreg:$0x2];
	[bflag:$0x3] =	sbarrier.arrive $0xFFFF;
	s2 =	simm.s32 @!p0 $0x1C04  }
0x247: {  	[timem:s3], [sflag:s2] =	dma.local @!p0 [hbm:s0], s1  }
0x248: {  	s0 =	simm.s32 @!p0 $0x4  }
0x249: {  	_ =	swait.ge @!p0 [sflag:s0], s1  }
0x24a: {  	s1 =	ssub.s32 @!p0 $0x0, s1;
	[sflag:s0] =	ssyncset.done @!p0 $0x0  }
0x24b: {  	[sflag:s0] =	ssyncadd.s32 @!p0 s1  }
0x24c: {  	[bflag:$0x3] =	sbarrier.arrive $0xFFFF  }
0x24d: {  	_ =	shalt  }

</sc_bundles>
